<compile_context>
chip_gen: v7x
topology: tpu7x:2x2x1
jax: 0.10.2.dev20260603
libtpu: 0.0.44.dev20260713+nightly
codegen_flags: <defaults>
</compile_context>

<pallas_src>
import jax
import jax.numpy as jnp
from jax import lax
from jax.experimental import pallas as pl
from jax.experimental.pallas import tpu as pltpu
from jax.experimental.pallas import tpu_sc as plsc

_B = 16384
_H = 50
_D = 32
_N = _B * _H

_NC, _NS = 2, 16
_NW = _NC * _NS
_BPW = _B // _NW
_CH = _BPW * _D
_HSTRIDE = 4 * 131072


def _permute_block(rows_v, perm_v, iota16):
    def body(m0, carry):
        col = (iota16 + m0) & 31
        dstv = ((col >> 3) << 12) + ((col & 7) << 7) + iota16
        for btp in range(4):
            for blg in range(8):
                row = iota16 + (btp * 128 + blg * 16)
                v = plsc.load_gather(rows_v, [row, col])
                plsc.store_scatter(perm_v, [dstv + (btp * 1024 + blg * 16)], v)
        return carry

    lax.fori_loop(0, _D, body, 0)


def _gather_body(idx_hbm, table_hbm, out_hbm,
                 idx0, idx1, rows0, rows1, perm0, perm1,
                 isem0, isem1, gsem0, gsem1, wsem0, wsem1):
    wid = lax.axis_index("s") * _NC + lax.axis_index("c")
    b0 = wid * _BPW
    out_base = wid * 4096
    iota16 = lax.iota(jnp.int32, 16)

    def icp(h, idx_v, sem):
        off = pl.multiple_of(h * _B + b0, 8)
        return pltpu.make_async_copy(idx_hbm.at[pl.ds(off, _BPW)], idx_v, sem)

    def gcp(idx_v, rows_v, sem):
        return pltpu.make_async_copy(table_hbm.at[idx_v], rows_v, sem)

    def wcp(h, dt, perm_v, sem):
        off = pl.multiple_of(h * _HSTRIDE + dt * 131072 + out_base, 8)
        return pltpu.make_async_copy(
            perm_v.at[pl.ds(dt * 4096, 4096)],
            out_hbm.at[pl.ds(off, 4096)],
            sem)

    def chunk(c, idx_c2, idx_o, rows_c, rows_o, perm_c,
              isem_c2, isem_o, gsem_c, gsem_o, wsem_c, first, last):
        gcp(idx_c2, rows_c, gsem_c).wait()

        @pl.when(c + 2 < _H)
        def _stage():
            icp(c + 2, idx_c2, isem_c2).start()

        @pl.when(c + 1 < _H)
        def _next():
            icp(0, idx_o, isem_o).wait()
            gcp(idx_o, rows_o, gsem_o).start()

        @pl.when(jnp.logical_not(first))
        def _drain():
            for dt in range(4):
                wcp(0, dt, perm_c, wsem_c).wait()

        _permute_block(rows_c, perm_c, iota16)
        for dt in range(4):
            wcp(c, dt, perm_c, wsem_c).start()

    icp(0, idx0, isem0).start()
    icp(1, idx1, isem1).start()
    icp(0, idx0, isem0).wait()
    gcp(idx0, rows0, gsem0).start()

    def pair(j, carry):
        c0 = 2 * j
        chunk(c0, idx0, idx1, rows0, rows1, perm0,
              isem0, isem1, gsem0, gsem1, wsem0, j == 0, False)
        chunk(c0 + 1, idx1, idx0, rows1, rows0, perm1,
              isem1, isem0, gsem1, gsem0, wsem1, j == 0, False)
        return carry

    lax.fori_loop(0, _H // 2, pair, 0)
    for dt in range(4):
        wcp(0, dt, perm0, wsem0).wait()
        wcp(0, dt, perm1, wsem1).wait()


_CW = 256
_NCHUNKS = 999936 // _CW
_CBASE = _NCHUNKS // _NW
_CEXTRA = _NCHUNKS - _CBASE * _NW


def _relayout_transpose(stg, perm, iota16):
    def body(m0, carry):
        rowv = (iota16 + m0) & 31
        dstb = iota16 * 32 + rowv
        for rc in range(_CW // 16):
            colv = iota16 + rc * 16
            v = plsc.load_gather(stg, [rowv, colv])
            plsc.store_scatter(perm, [dstb + rc * 512], v)
        return carry

    lax.fori_loop(0, 32, body, 0)


def _relayout_body(tableT_hbm, out_hbm,
                   stg0, stg1, stg_t, perm0, perm1,
                   isem0, isem1, wsem0, wsem1):
    wid = lax.axis_index("s") * _NC + lax.axis_index("c")
    start = wid * _CBASE + jnp.minimum(wid, _CEXTRA)
    count = _CBASE + (wid < _CEXTRA).astype(jnp.int32)
    iota16 = lax.iota(jnp.int32, 16)

    def c0_of(g):
        return pl.multiple_of(g * _CW, _CW)

    def icp(g, stg, sem):
        return pltpu.make_async_copy(
            tableT_hbm.at[:, pl.ds(c0_of(g), _CW)], stg, sem)

    def wcp(g, perm, sem):
        off = pl.multiple_of(c0_of(g) * _D, 64)
        return pltpu.make_async_copy(perm,
                                     out_hbm.at[pl.ds(off, _CW * _D)], sem)

    def do_chunk(i, stg_m, perm_m, isem_m, wsem_m, stg_o, isem_o):
        g = start + i
        icp(g, stg_m, isem_m).wait()

        @pl.when(i + 1 < count)
        def _stage():
            icp(g + 1, stg_o, isem_o).start()

        @pl.when(i >= 2)
        def _drain():
            wcp(g, perm_m, wsem_m).wait()

        _relayout_transpose(stg_m, perm_m, iota16)
        wcp(g, perm_m, wsem_m).start()

    icp(start, stg0, isem0).start()

    def step(i, carry):
        @pl.when((i & 1) == 0)
        def _even():
            do_chunk(i, stg0, perm0, isem0, wsem0, stg1, isem1)

        @pl.when((i & 1) == 1)
        def _odd():
            do_chunk(i, stg1, perm1, isem1, wsem1, stg0, isem0)

        return carry

    lax.fori_loop(0, count, step, 0)
    wcp(0, perm0, wsem0).wait()
    wcp(0, perm1, wsem1).wait()

    @pl.when(wid == _NW - 1)
    def _tail():
        pltpu.sync_copy(tableT_hbm.at[:, pl.ds(999936, 64)], stg_t)

        def tbody(m0, carry):
            rowv = (iota16 + m0) & 31
            dstb = iota16 * 32 + rowv
            for rc in range(4):
                colv = iota16 + rc * 16
                v = plsc.load_gather(stg_t, [rowv, colv])
                plsc.store_scatter(perm0, [dstb + rc * 512], v)
            return carry

        lax.fori_loop(0, 32, tbody, 0)
        pltpu.sync_copy(perm0.at[pl.ds(0, 2048)],
                        out_hbm.at[pl.ds(999936 * _D, 2048)])


@jax.jit
def _table_relayout(tableT):
    mesh = plsc.VectorSubcoreMesh(core_axis_name="c", subcore_axis_name="s")
    f = pl.kernel(
        _relayout_body,
        out_type=jax.ShapeDtypeStruct((1000000 * _D,), jnp.float32),
        scratch_types=[
            pltpu.VMEM((_D, _CW), jnp.float32),
            pltpu.VMEM((_D, _CW), jnp.float32),
            pltpu.VMEM((_D, 64), jnp.float32),
            pltpu.VMEM((_CW * _D,), jnp.float32),
            pltpu.VMEM((_CW * _D,), jnp.float32),
            pltpu.SemaphoreType.DMA,
            pltpu.SemaphoreType.DMA,
            pltpu.SemaphoreType.DMA,
            pltpu.SemaphoreType.DMA,
        ],
        mesh=mesh,
        compiler_params=pltpu.CompilerParams(
            use_tc_tiling_on_sc=True, needs_layout_passes=False),
    )
    return f(tableT)


@jax.jit
def _embedding_gather(idx, table):
    mesh = plsc.VectorSubcoreMesh(core_axis_name="c", subcore_axis_name="s")
    f = pl.kernel(
        _gather_body,
        out_type=jax.ShapeDtypeStruct((_N * _D,), jnp.float32),
        scratch_types=[
            pltpu.VMEM((_BPW,), jnp.int32),
            pltpu.VMEM((_BPW,), jnp.int32),
            pltpu.VMEM((_BPW, _D), jnp.float32),
            pltpu.VMEM((_BPW, _D), jnp.float32),
            pltpu.VMEM((_CH,), jnp.float32),
            pltpu.VMEM((_CH,), jnp.float32),
            pltpu.SemaphoreType.DMA,
            pltpu.SemaphoreType.DMA,
            pltpu.SemaphoreType.DMA,
            pltpu.SemaphoreType.DMA,
            pltpu.SemaphoreType.DMA,
            pltpu.SemaphoreType.DMA,
        ],
        mesh=mesh,
        compiler_params=pltpu.CompilerParams(
            use_tc_tiling_on_sc=False, needs_layout_passes=False),
    )
    return f(idx, table)


def kernel(text, table):
    idx = text.T.reshape(-1).astype(jnp.int32)
    tlin = _table_relayout(table.T)
    outflat = _embedding_gather(idx, tlin.reshape(1000000, _D))
    out5 = outflat.reshape(_H, 4, 128, 8, 128)
    return out5.transpose(2, 4, 0, 1, 3).reshape(_B, _H, _D)

# --- scband reference (transcript-rebuilt; emitter-appended) ---
"""Pipeline reference for scband-embedding-54855322304977 (READ-ONLY COPY).

The authoritative reference and input builder live on the scoring server;
editing this copy changes nothing except your own understanding.
"""

import jax, jax.numpy as jnp
import numpy as np

VOCAB = 1000000
EMBED_DIM = 32
BATCH = 16384
HIST = 50

def setup_inputs(seed: int = 0) -> dict:
    key = jax.random.key(seed)
    k1, k2 = jax.random.split(key)
    text = jax.random.randint(k1, (BATCH, HIST), 0, VOCAB, dtype=jnp.int64 if jax.config.jax_enable_x64 else jnp.int32)
    table = jax.random.normal(k2, (VOCAB, EMBED_DIM), dtype=jnp.float32)
    return {"text": text, "table": table}

def reference(text, table):
    # Faithful to nn.Embedding forward: row gather from the embedding table.
    # (preprocess_text / convert_text_to_ids are undefined string helpers in the
    #  original module; the tensor computation is the embedding lookup.)
    return jnp.take(table, text, axis=0)

if __name__ == "__main__":
    import jax
    _d = setup_inputs()
    print(jax.jit(kernel)(*tuple(_d.values())))

</pallas_src>

<mosaic_0001>
#map = affine_map<(d0, d1) -> (0, 0)>
#map1 = affine_map<(d0, d1) -> (0)>
module attributes {stable_mosaic.version = 14 : i64} {
  func.func @_relayout_body(%arg0: i32, %arg1: i32, %arg2: memref<32x1000000xf32, #tpu.memory_space<hbm>>, %arg3: memref<32000000xf32, #tpu.memory_space<hbm>>, %arg4: memref<32x256xf32, #tpu.memory_space<vmem>>, %arg5: memref<32x256xf32, #tpu.memory_space<vmem>>, %arg6: memref<32x64xf32, #tpu.memory_space<vmem>>, %arg7: memref<8192xf32, #tpu.memory_space<vmem>>, %arg8: memref<8192xf32, #tpu.memory_space<vmem>>, %arg9: memref<!tpu.dma_semaphore, #tpu.memory_space<semaphore_mem>>, %arg10: memref<!tpu.dma_semaphore, #tpu.memory_space<semaphore_mem>>, %arg11: memref<!tpu.dma_semaphore, #tpu.memory_space<semaphore_mem>>, %arg12: memref<!tpu.dma_semaphore, #tpu.memory_space<semaphore_mem>>) attributes {dimension_semantics = [#tpu.dimension_semantics<core_parallel>, #tpu.dimension_semantics<subcore_parallel>], iteration_bounds = array<i64: 2, 16>, scalar_prefetch = 0 : i64, scratch_operands = 9 : i64, tpu.core_type = #tpu.core_type<sc_vector_subcore>, window_params = [{transform_indices = #map}, {transform_indices = #map1}]} {
    %mul3A = arith.constant 2 : i32
    %mul3A_0 = arith.muli %arg1, %mul3A : i32
    %add3A = arith.addi %mul3A_0, %arg0 : i32
    %mul3A_1 = arith.constant 122 : i32
    %mul3A_2 = arith.muli %add3A, %mul3A_1 : i32
    %min3A = arith.constant 2 : i32
    %min3A_3 = arith.minsi %add3A, %min3A : i32
    %add3A_4 = arith.addi %mul3A_2, %min3A_3 : i32
    %lt3A = arith.constant 2 : i32
    %lt3A_5 = arith.cmpi slt, %add3A, %lt3A : i32
    %convert_element_type3A = arith.extui %lt3A_5 : i1 to i32
    %add3A_6 = arith.constant 122 : i32
    %add3A_7 = arith.addi %add3A_6, %convert_element_type3A : i32
    %iota3A = tpu.iota {dimensions = array<i32: 0>} : vector<16xi32>
    %mul3A_8 = arith.constant 256 : i32
    %mul3A_9 = arith.muli %add3A_4, %mul3A_8 : i32
    %multiple_of3A = tpu.assume_multiple %mul3A_9, 256 : i32
    %dma_start3A = arith.constant 0 : i32
    %dma_start3A_10 = tpu.memref_slice %arg2[%dma_start3A, %multiple_of3A] : memref<32x1000000xf32, #tpu.memory_space<hbm>> -> memref<32x256xf32, #tpu.memory_space<hbm>>
    %dma_start3A_11 = arith.constant 0 : i32
    %dma_start3A_12 = tpu.memref_slice %arg2[%dma_start3A_11, %multiple_of3A] : memref<32x1000000xf32, #tpu.memory_space<hbm>> -> memref<32x256xf32, #tpu.memory_space<hbm>>
    tpu.enqueue_dma source(%dma_start3A_12 : memref<32x256xf32, #tpu.memory_space<hbm>>) target(%arg4 : memref<32x256xf32, #tpu.memory_space<vmem>>) target_semaphore(%arg9 : memref<!tpu.dma_semaphore, #tpu.memory_space<semaphore_mem>>)
    %while3A = arith.constant 0 : i32
    %while3A_13 = arith.constant 0 : i32
    %while3A_14 = arith.subi %add3A_7, %while3A_13 : i32
    %while3A_15 = arith.addi %while3A_13, %while3A_14 : i32
    %while3A_16 = arith.constant 1 : i32
    %while3A_17 = arith.divsi %while3A_14, %while3A_16 : i32
    %while3A_18 = arith.muli %while3A_17, %while3A_16 : i32
    %while3A_19 = arith.addi %while3A_13, %while3A_18 : i32
    %while3A_20 = arith.constant 1 : i32
    scf.for %while3A_38 = %while3A_13 to %while3A_19 step %while3A_20  : i32 {
      %and3A = arith.constant 1 : i32
      %and3A_39 = arith.andi %while3A_38, %and3A : i32
      %eq3A_40 = arith.constant 0 : i32
      %eq3A_41 = arith.cmpi eq, %and3A_39, %eq3A_40 : i32
      %convert_element_type3A_42 = arith.extui %eq3A_41 : i1 to i32
      %cond3A_43 = arith.constant 0 : i32
      %cond3A_44 = arith.cmpi ne, %convert_element_type3A_42, %cond3A_43 : i32
      scf.if %cond3A_44 {
        %add3A_52 = arith.addi %add3A_4, %while3A_38 : i32
        %mul3A_53 = arith.constant 256 : i32
        %mul3A_54 = arith.muli %add3A_52, %mul3A_53 : i32
        %multiple_of3A_55 = tpu.assume_multiple %mul3A_54, 256 : i32
        %dma_wait3A_56 = arith.constant 0 : i32
        %dma_wait3A_57 = tpu.memref_slice %arg2[%dma_wait3A_56, %multiple_of3A_55] : memref<32x1000000xf32, #tpu.memory_space<hbm>> -> memref<32x256xf32, #tpu.memory_space<hbm>>
        %dma_wait3A_58 = arith.constant 0 : i32
        %dma_wait3A_59 = tpu.memref_slice %arg2[%dma_wait3A_58, %multiple_of3A_55] : memref<32x1000000xf32, #tpu.memory_space<hbm>> -> memref<32x256xf32, #tpu.memory_space<hbm>>
        tpu.wait_dma2 semaphore(%arg9 : memref<!tpu.dma_semaphore, #tpu.memory_space<semaphore_mem>>) src(%dma_wait3A_59 : memref<32x256xf32, #tpu.memory_space<hbm>>) dst(%arg4 : memref<32x256xf32, #tpu.memory_space<vmem>>)
        %add3A_60 = arith.constant 1 : i32
        %add3A_61 = arith.addi %while3A_38, %add3A_60 : i32
        %lt3A_62 = arith.cmpi slt, %add3A_61, %add3A_7 : i32
        %convert_element_type3A_63 = arith.extui %lt3A_62 : i1 to i32
        %cond3A_64 = arith.constant 0 : i32
        %cond3A_65 = arith.cmpi ne, %convert_element_type3A_63, %cond3A_64 : i32
        scf.if %cond3A_65 {
          %add3A_83 = arith.constant 1 : i32
          %add3A_84 = arith.addi %add3A_52, %add3A_83 : i32
          %mul3A_85 = arith.constant 256 : i32
          %mul3A_86 = arith.muli %add3A_84, %mul3A_85 : i32
          %multiple_of3A_87 = tpu.assume_multiple %mul3A_86, 256 : i32
          %dma_start3A_88 = arith.constant 0 : i32
          %dma_start3A_89 = tpu.memref_slice %arg2[%dma_start3A_88, %multiple_of3A_87] : memref<32x1000000xf32, #tpu.memory_space<hbm>> -> memref<32x256xf32, #tpu.memory_space<hbm>>
          %dma_start3A_90 = arith.constant 0 : i32
          %dma_start3A_91 = tpu.memref_slice %arg2[%dma_start3A_90, %multiple_of3A_87] : memref<32x1000000xf32, #tpu.memory_space<hbm>> -> memref<32x256xf32, #tpu.memory_space<hbm>>
          tpu.enqueue_dma source(%dma_start3A_91 : memref<32x256xf32, #tpu.memory_space<hbm>>) target(%arg5 : memref<32x256xf32, #tpu.memory_space<vmem>>) target_semaphore(%arg10 : memref<!tpu.dma_semaphore, #tpu.memory_space<semaphore_mem>>)
        } else {
        }
        %ge3A = arith.constant 2 : i32
        %ge3A_66 = arith.cmpi sge, %while3A_38, %ge3A : i32
        %convert_element_type3A_67 = arith.extui %ge3A_66 : i1 to i32
        %cond3A_68 = arith.constant 0 : i32
        %cond3A_69 = arith.cmpi ne, %convert_element_type3A_67, %cond3A_68 : i32
        scf.if %cond3A_69 {
          %mul3A_83 = arith.constant 256 : i32
          %mul3A_84 = arith.muli %add3A_52, %mul3A_83 : i32
          %multiple_of3A_85 = tpu.assume_multiple %mul3A_84, 256 : i32
          %mul3A_86 = arith.constant 32 : i32
          %mul3A_87 = arith.muli %multiple_of3A_85, %mul3A_86 : i32
          %multiple_of3A_88 = tpu.assume_multiple %mul3A_87, 64 : i32
          %dma_wait3A_89 = tpu.memref_slice %arg3[%multiple_of3A_88] : memref<32000000xf32, #tpu.memory_space<hbm>> -> memref<8192xf32, #tpu.memory_space<hbm>>
          %dma_wait3A_90 = tpu.memref_slice %arg3[%multiple_of3A_88] : memref<32000000xf32, #tpu.memory_space<hbm>> -> memref<8192xf32, #tpu.memory_space<hbm>>
          tpu.wait_dma2 semaphore(%arg11 : memref<!tpu.dma_semaphore, #tpu.memory_space<semaphore_mem>>) src(%arg7 : memref<8192xf32, #tpu.memory_space<vmem>>) dst(%dma_wait3A_90 : memref<8192xf32, #tpu.memory_space<hbm>>)
        } else {
        }
        %scan3A = arith.constant 0 : i32
        %scan3A_70 = arith.constant 0 : i32
        %scan3A_71 = arith.constant 32 : i32
        %scan3A_72 = arith.addi %scan3A_70, %scan3A_71 : i32
        %scan3A_73 = arith.constant 1 : i32
        scf.for %scan3A_83 = %scan3A_70 to %scan3A_72 step %scan3A_73  : i32 {
          %add3A_84 = vector.broadcast %scan3A_83 : i32 to vector<16xi32>
          %add3A_85 = arith.addi %iota3A, %add3A_84 : vector<16xi32>
          %and3A_86 = arith.constant 31 : i32
          %and3A_87 = vector.broadcast %and3A_86 : i32 to vector<16xi32>
          %and3A_88 = arith.andi %add3A_85, %and3A_87 : vector<16xi32>
          %mul3A_89 = arith.constant 32 : i32
          %mul3A_90 = vector.broadcast %mul3A_89 : i32 to vector<16xi32>
          %mul3A_91 = arith.muli %iota3A, %mul3A_90 : vector<16xi32>
          %add3A_92 = arith.addi %mul3A_91, %and3A_88 : vector<16xi32>
          %add3A_93 = arith.constant 0 : i32
          %add3A_94 = vector.broadcast %add3A_93 : i32 to vector<16xi32>
          %add3A_95 = arith.addi %iota3A, %add3A_94 : vector<16xi32>
          %gather3A = tpu.vector_load_idx %arg4[%and3A_88, %add3A_95] : memref<32x256xf32, #tpu.memory_space<vmem>>[vector<16xi32>, vector<16xi32>], vector<16xf32>,
          %add3A_96 = arith.constant 0 : i32
          %add3A_97 = vector.broadcast %add3A_96 : i32 to vector<16xi32>
          %add3A_98 = arith.addi %add3A_92, %add3A_97 : vector<16xi32>
          tpu.vector_store_idx %arg7[%add3A_98], %gather3A : memref<8192xf32, #tpu.memory_space<vmem>>[vector<16xi32>], vector<16xf32>,
          %add3A_99 = arith.constant 16 : i32
          %add3A_100 = vector.broadcast %add3A_99 : i32 to vector<16xi32>
          %add3A_101 = arith.addi %iota3A, %add3A_100 : vector<16xi32>
          %gather3A_102 = tpu.vector_load_idx %arg4[%and3A_88, %add3A_101] : memref<32x256xf32, #tpu.memory_space<vmem>>[vector<16xi32>, vector<16xi32>], vector<16xf32>,
          %add3A_103 = arith.constant 512 : i32
          %add3A_104 = vector.broadcast %add3A_103 : i32 to vector<16xi32>
          %add3A_105 = arith.addi %add3A_92, %add3A_104 : vector<16xi32>
          tpu.vector_store_idx %arg7[%add3A_105], %gather3A_102 : memref<8192xf32, #tpu.memory_space<vmem>>[vector<16xi32>], vector<16xf32>,
          %add3A_106 = arith.constant 32 : i32
          %add3A_107 = vector.broadcast %add3A_106 : i32 to vector<16xi32>
          %add3A_108 = arith.addi %iota3A, %add3A_107 : vector<16xi32>
          %gather3A_109 = tpu.vector_load_idx %arg4[%and3A_88, %add3A_108] : memref<32x256xf32, #tpu.memory_space<vmem>>[vector<16xi32>, vector<16xi32>], vector<16xf32>,
          %add3A_110 = arith.constant 1024 : i32
          %add3A_111 = vector.broadcast %add3A_110 : i32 to vector<16xi32>
          %add3A_112 = arith.addi %add3A_92, %add3A_111 : vector<16xi32>
          tpu.vector_store_idx %arg7[%add3A_112], %gather3A_109 : memref<8192xf32, #tpu.memory_space<vmem>>[vector<16xi32>], vector<16xf32>,
          %add3A_113 = arith.constant 48 : i32
          %add3A_114 = vector.broadcast %add3A_113 : i32 to vector<16xi32>
          %add3A_115 = arith.addi %iota3A, %add3A_114 : vector<16xi32>
          %gather3A_116 = tpu.vector_load_idx %arg4[%and3A_88, %add3A_115] : memref<32x256xf32, #tpu.memory_space<vmem>>[vector<16xi32>, vector<16xi32>], vector<16xf32>,
          %add3A_117 = arith.constant 1536 : i32
          %add3A_118 = vector.broadcast %add3A_117 : i32 to vector<16xi32>
          %add3A_119 = arith.addi %add3A_92, %add3A_118 : vector<16xi32>
          tpu.vector_store_idx %arg7[%add3A_119], %gather3A_116 : memref<8192xf32, #tpu.memory_space<vmem>>[vector<16xi32>], vector<16xf32>,
          %add3A_120 = arith.constant 64 : i32
          %add3A_121 = vector.broadcast %add3A_120 : i32 to vector<16xi32>
          %add3A_122 = arith.addi %iota3A, %add3A_121 : vector<16xi32>
          %gather3A_123 = tpu.vector_load_idx %arg4[%and3A_88, %add3A_122] : memref<32x256xf32, #tpu.memory_space<vmem>>[vector<16xi32>, vector<16xi32>], vector<16xf32>,
          %add3A_124 = arith.constant 2048 : i32
          %add3A_125 = vector.broadcast %add3A_124 : i32 to vector<16xi32>
          %add3A_126 = arith.addi %add3A_92, %add3A_125 : vector<16xi32>
          tpu.vector_store_idx %arg7[%add3A_126], %gather3A_123 : memref<8192xf32, #tpu.memory_space<vmem>>[vector<16xi32>], vector<16xf32>,
          %add3A_127 = arith.constant 80 : i32
          %add3A_128 = vector.broadcast %add3A_127 : i32 to vector<16xi32>
          %add3A_129 = arith.addi %iota3A, %add3A_128 : vector<16xi32>
          %gather3A_130 = tpu.vector_load_idx %arg4[%and3A_88, %add3A_129] : memref<32x256xf32, #tpu.memory_space<vmem>>[vector<16xi32>, vector<16xi32>], vector<16xf32>,
          %add3A_131 = arith.constant 2560 : i32
          %add3A_132 = vector.broadcast %add3A_131 : i32 to vector<16xi32>
          %add3A_133 = arith.addi %add3A_92, %add3A_132 : vector<16xi32>
          tpu.vector_store_idx %arg7[%add3A_133], %gather3A_130 : memref<8192xf32, #tpu.memory_space<vmem>>[vector<16xi32>], vector<16xf32>,
          %add3A_134 = arith.constant 96 : i32
          %add3A_135 = vector.broadcast %add3A_134 : i32 to vector<16xi32>
          %add3A_136 = arith.addi %iota3A, %add3A_135 : vector<16xi32>
          %gather3A_137 = tpu.vector_load_idx %arg4[%and3A_88, %add3A_136] : memref<32x256xf32, #tpu.memory_space<vmem>>[vector<16xi32>, vector<16xi32>], vector<16xf32>,
          %add3A_138 = arith.constant 3072 : i32
          %add3A_139 = vector.broadcast %add3A_138 : i32 to vector<16xi32>
          %add3A_140 = arith.addi %add3A_92, %add3A_139 : vector<16xi32>
          tpu.vector_store_idx %arg7[%add3A_140], %gather3A_137 : memref<8192xf32, #tpu.memory_space<vmem>>[vector<16xi32>], vector<16xf32>,
          %add3A_141 = arith.constant 112 : i32
          %add3A_142 = vector.broadcast %add3A_141 : i32 to vector<16xi32>
          %add3A_143 = arith.addi %iota3A, %add3A_142 : vector<16xi32>
          %gather3A_144 = tpu.vector_load_idx %arg4[%and3A_88, %add3A_143] : memref<32x256xf32, #tpu.memory_space<vmem>>[vector<16xi32>, vector<16xi32>], vector<16xf32>,
          %add3A_145 = arith.constant 3584 : i32
          %add3A_146 = vector.broadcast %add3A_145 : i32 to vector<16xi32>
          %add3A_147 = arith.addi %add3A_92, %add3A_146 : vector<16xi32>
          tpu.vector_store_idx %arg7[%add3A_147], %gather3A_144 : memref<8192xf32, #tpu.memory_space<vmem>>[vector<16xi32>], vector<16xf32>,
          %add3A_148 = arith.constant 128 : i32
          %add3A_149 = vector.broadcast %add3A_148 : i32 to vector<16xi32>
          %add3A_150 = arith.addi %iota3A, %add3A_149 : vector<16xi32>
          %gather3A_151 = tpu.vector_load_idx %arg4[%and3A_88, %add3A_150] : memref<32x256xf32, #tpu.memory_space<vmem>>[vector<16xi32>, vector<16xi32>], vector<16xf32>,
          %add3A_152 = arith.constant 4096 : i32
          %add3A_153 = vector.broadcast %add3A_152 : i32 to vector<16xi32>
          %add3A_154 = arith.addi %add3A_92, %add3A_153 : vector<16xi32>
          tpu.vector_store_idx %arg7[%add3A_154], %gather3A_151 : memref<8192xf32, #tpu.memory_space<vmem>>[vector<16xi32>], vector<16xf32>,
          %add3A_155 = arith.constant 144 : i32
          %add3A_156 = vector.broadcast %add3A_155 : i32 to vector<16xi32>
          %add3A_157 = arith.addi %iota3A, %add3A_156 : vector<16xi32>
          %gather3A_158 = tpu.vector_load_idx %arg4[%and3A_88, %add3A_157] : memref<32x256xf32, #tpu.memory_space<vmem>>[vector<16xi32>, vector<16xi32>], vector<16xf32>,
          %add3A_159 = arith.constant 4608 : i32
          %add3A_160 = vector.broadcast %add3A_159 : i32 to vector<16xi32>
          %add3A_161 = arith.addi %add3A_92, %add3A_160 : vector<16xi32>
          tpu.vector_store_idx %arg7[%add3A_161], %gather3A_158 : memref<8192xf32, #tpu.memory_space<vmem>>[vector<16xi32>], vector<16xf32>,
          %add3A_162 = arith.constant 160 : i32
          %add3A_163 = vector.broadcast %add3A_162 : i32 to vector<16xi32>
          %add3A_164 = arith.addi %iota3A, %add3A_163 : vector<16xi32>
          %gather3A_165 = tpu.vector_load_idx %arg4[%and3A_88, %add3A_164] : memref<32x256xf32, #tpu.memory_space<vmem>>[vector<16xi32>, vector<16xi32>], vector<16xf32>,
          %add3A_166 = arith.constant 5120 : i32
          %add3A_167 = vector.broadcast %add3A_166 : i32 to vector<16xi32>
          %add3A_168 = arith.addi %add3A_92, %add3A_167 : vector<16xi32>
          tpu.vector_store_idx %arg7[%add3A_168], %gather3A_165 : memref<8192xf32, #tpu.memory_space<vmem>>[vector<16xi32>], vector<16xf32>,
          %add3A_169 = arith.constant 176 : i32
          %add3A_170 = vector.broadcast %add3A_169 : i32 to vector<16xi32>
          %add3A_171 = arith.addi %iota3A, %add3A_170 : vector<16xi32>
          %gather3A_172 = tpu.vector_load_idx %arg4[%and3A_88, %add3A_171] : memref<32x256xf32, #tpu.memory_space<vmem>>[vector<16xi32>, vector<16xi32>], vector<16xf32>,
          %add3A_173 = arith.constant 5632 : i32
          %add3A_174 = vector.broadcast %add3A_173 : i32 to vector<16xi32>
          %add3A_175 = arith.addi %add3A_92, %add3A_174 : vector<16xi32>
          tpu.vector_store_idx %arg7[%add3A_175], %gather3A_172 : memref<8192xf32, #tpu.memory_space<vmem>>[vector<16xi32>], vector<16xf32>,
          %add3A_176 = arith.constant 192 : i32
          %add3A_177 = vector.broadcast %add3A_176 : i32 to vector<16xi32>
          %add3A_178 = arith.addi %iota3A, %add3A_177 : vector<16xi32>
          %gather3A_179 = tpu.vector_load_idx %arg4[%and3A_88, %add3A_178] : memref<32x256xf32, #tpu.memory_space<vmem>>[vector<16xi32>, vector<16xi32>], vector<16xf32>,
          %add3A_180 = arith.constant 6144 : i32
          %add3A_181 = vector.broadcast %add3A_180 : i32 to vector<16xi32>
          %add3A_182 = arith.addi %add3A_92, %add3A_181 : vector<16xi32>
          tpu.vector_store_idx %arg7[%add3A_182], %gather3A_179 : memref<8192xf32, #tpu.memory_space<vmem>>[vector<16xi32>], vector<16xf32>,
          %add3A_183 = arith.constant 208 : i32
          %add3A_184 = vector.broadcast %add3A_183 : i32 to vector<16xi32>
          %add3A_185 = arith.addi %iota3A, %add3A_184 : vector<16xi32>
          %gather3A_186 = tpu.vector_load_idx %arg4[%and3A_88, %add3A_185] : memref<32x256xf32, #tpu.memory_space<vmem>>[vector<16xi32>, vector<16xi32>], vector<16xf32>,
          %add3A_187 = arith.constant 6656 : i32
          %add3A_188 = vector.broadcast %add3A_187 : i32 to vector<16xi32>
          %add3A_189 = arith.addi %add3A_92, %add3A_188 : vector<16xi32>
          tpu.vector_store_idx %arg7[%add3A_189], %gather3A_186 : memref<8192xf32, #tpu.memory_space<vmem>>[vector<16xi32>], vector<16xf32>,
          %add3A_190 = arith.constant 224 : i32
          %add3A_191 = vector.broadcast %add3A_190 : i32 to vector<16xi32>
          %add3A_192 = arith.addi %iota3A, %add3A_191 : vector<16xi32>
          %gather3A_193 = tpu.vector_load_idx %arg4[%and3A_88, %add3A_192] : memref<32x256xf32, #tpu.memory_space<vmem>>[vector<16xi32>, vector<16xi32>], vector<16xf32>,
          %add3A_194 = arith.constant 7168 : i32
          %add3A_195 = vector.broadcast %add3A_194 : i32 to vector<16xi32>
          %add3A_196 = arith.addi %add3A_92, %add3A_195 : vector<16xi32>
          tpu.vector_store_idx %arg7[%add3A_196], %gather3A_193 : memref<8192xf32, #tpu.memory_space<vmem>>[vector<16xi32>], vector<16xf32>,
          %add3A_197 = arith.constant 240 : i32
          %add3A_198 = vector.broadcast %add3A_197 : i32 to vector<16xi32>
          %add3A_199 = arith.addi %iota3A, %add3A_198 : vector<16xi32>
          %gather3A_200 = tpu.vector_load_idx %arg4[%and3A_88, %add3A_199] : memref<32x256xf32, #tpu.memory_space<vmem>>[vector<16xi32>, vector<16xi32>], vector<16xf32>,
          %add3A_201 = arith.constant 7680 : i32
          %add3A_202 = vector.broadcast %add3A_201 : i32 to vector<16xi32>
          %add3A_203 = arith.addi %add3A_92, %add3A_202 : vector<16xi32>
          tpu.vector_store_idx %arg7[%add3A_203], %gather3A_200 : memref<8192xf32, #tpu.memory_space<vmem>>[vector<16xi32>], vector<16xf32>,
        }
        %scan3A_74 = arith.constant 32 : i32
        %mul3A_75 = arith.constant 256 : i32
        %mul3A_76 = arith.muli %add3A_52, %mul3A_75 : i32
        %multiple_of3A_77 = tpu.assume_multiple %mul3A_76, 256 : i32
        %mul3A_78 = arith.constant 32 : i32
        %mul3A_79 = arith.muli %multiple_of3A_77, %mul3A_78 : i32
        %multiple_of3A_80 = tpu.assume_multiple %mul3A_79, 64 : i32
        %dma_start3A_81 = tpu.memref_slice %arg3[%multiple_of3A_80] : memref<32000000xf32, #tpu.memory_space<hbm>> -> memref<8192xf32, #tpu.memory_space<hbm>>
        %dma_start3A_82 = tpu.memref_slice %arg3[%multiple_of3A_80] : memref<32000000xf32, #tpu.memory_space<hbm>> -> memref<8192xf32, #tpu.memory_space<hbm>>
        tpu.enqueue_dma source(%arg7 : memref<8192xf32, #tpu.memory_space<vmem>>) target(%dma_start3A_82 : memref<8192xf32, #tpu.memory_space<hbm>>) target_semaphore(%arg11 : memref<!tpu.dma_semaphore, #tpu.memory_space<semaphore_mem>>)
      } else {
      }
      %and3A_45 = arith.constant 1 : i32
      %and3A_46 = arith.andi %while3A_38, %and3A_45 : i32
      %eq3A_47 = arith.constant 1 : i32
      %eq3A_48 = arith.cmpi eq, %and3A_46, %eq3A_47 : i32
      %convert_element_type3A_49 = arith.extui %eq3A_48 : i1 to i32
      %cond3A_50 = arith.constant 0 : i32
      %cond3A_51 = arith.cmpi ne, %convert_element_type3A_49, %cond3A_50 : i32
      scf.if %cond3A_51 {
        %add3A_52 = arith.addi %add3A_4, %while3A_38 : i32
        %mul3A_53 = arith.constant 256 : i32
        %mul3A_54 = arith.muli %add3A_52, %mul3A_53 : i32
        %multiple_of3A_55 = tpu.assume_multiple %mul3A_54, 256 : i32
        %dma_wait3A_56 = arith.constant 0 : i32
        %dma_wait3A_57 = tpu.memref_slice %arg2[%dma_wait3A_56, %multiple_of3A_55] : memref<32x1000000xf32, #tpu.memory_space<hbm>> -> memref<32x256xf32, #tpu.memory_space<hbm>>
        %dma_wait3A_58 = arith.constant 0 : i32
        %dma_wait3A_59 = tpu.memref_slice %arg2[%dma_wait3A_58, %multiple_of3A_55] : memref<32x1000000xf32, #tpu.memory_space<hbm>> -> memref<32x256xf32, #tpu.memory_space<hbm>>
        tpu.wait_dma2 semaphore(%arg10 : memref<!tpu.dma_semaphore, #tpu.memory_space<semaphore_mem>>) src(%dma_wait3A_59 : memref<32x256xf32, #tpu.memory_space<hbm>>) dst(%arg5 : memref<32x256xf32, #tpu.memory_space<vmem>>)
        %add3A_60 = arith.constant 1 : i32
        %add3A_61 = arith.addi %while3A_38, %add3A_60 : i32
        %lt3A_62 = arith.cmpi slt, %add3A_61, %add3A_7 : i32
        %convert_element_type3A_63 = arith.extui %lt3A_62 : i1 to i32
        %cond3A_64 = arith.constant 0 : i32
        %cond3A_65 = arith.cmpi ne, %convert_element_type3A_63, %cond3A_64 : i32
        scf.if %cond3A_65 {
          %add3A_83 = arith.constant 1 : i32
          %add3A_84 = arith.addi %add3A_52, %add3A_83 : i32
          %mul3A_85 = arith.constant 256 : i32
          %mul3A_86 = arith.muli %add3A_84, %mul3A_85 : i32
          %multiple_of3A_87 = tpu.assume_multiple %mul3A_86, 256 : i32
          %dma_start3A_88 = arith.constant 0 : i32
          %dma_start3A_89 = tpu.memref_slice %arg2[%dma_start3A_88, %multiple_of3A_87] : memref<32x1000000xf32, #tpu.memory_space<hbm>> -> memref<32x256xf32, #tpu.memory_space<hbm>>
          %dma_start3A_90 = arith.constant 0 : i32
          %dma_start3A_91 = tpu.memref_slice %arg2[%dma_start3A_90, %multiple_of3A_87] : memref<32x1000000xf32, #tpu.memory_space<hbm>> -> memref<32x256xf32, #tpu.memory_space<hbm>>
          tpu.enqueue_dma source(%dma_start3A_91 : memref<32x256xf32, #tpu.memory_space<hbm>>) target(%arg4 : memref<32x256xf32, #tpu.memory_space<vmem>>) target_semaphore(%arg9 : memref<!tpu.dma_semaphore, #tpu.memory_space<semaphore_mem>>)
        } else {
        }
        %ge3A = arith.constant 2 : i32
        %ge3A_66 = arith.cmpi sge, %while3A_38, %ge3A : i32
        %convert_element_type3A_67 = arith.extui %ge3A_66 : i1 to i32
        %cond3A_68 = arith.constant 0 : i32
        %cond3A_69 = arith.cmpi ne, %convert_element_type3A_67, %cond3A_68 : i32
        scf.if %cond3A_69 {
          %mul3A_83 = arith.constant 256 : i32
          %mul3A_84 = arith.muli %add3A_52, %mul3A_83 : i32
          %multiple_of3A_85 = tpu.assume_multiple %mul3A_84, 256 : i32
          %mul3A_86 = arith.constant 32 : i32
          %mul3A_87 = arith.muli %multiple_of3A_85, %mul3A_86 : i32
          %multiple_of3A_88 = tpu.assume_multiple %mul3A_87, 64 : i32
          %dma_wait3A_89 = tpu.memref_slice %arg3[%multiple_of3A_88] : memref<32000000xf32, #tpu.memory_space<hbm>> -> memref<8192xf32, #tpu.memory_space<hbm>>
          %dma_wait3A_90 = tpu.memref_slice %arg3[%multiple_of3A_88] : memref<32000000xf32, #tpu.memory_space<hbm>> -> memref<8192xf32, #tpu.memory_space<hbm>>
          tpu.wait_dma2 semaphore(%arg12 : memref<!tpu.dma_semaphore, #tpu.memory_space<semaphore_mem>>) src(%arg8 : memref<8192xf32, #tpu.memory_space<vmem>>) dst(%dma_wait3A_90 : memref<8192xf32, #tpu.memory_space<hbm>>)
        } else {
        }
        %scan3A = arith.constant 0 : i32
        %scan3A_70 = arith.constant 0 : i32
        %scan3A_71 = arith.constant 32 : i32
        %scan3A_72 = arith.addi %scan3A_70, %scan3A_71 : i32
        %scan3A_73 = arith.constant 1 : i32
        scf.for %scan3A_83 = %scan3A_70 to %scan3A_72 step %scan3A_73  : i32 {
          %add3A_84 = vector.broadcast %scan3A_83 : i32 to vector<16xi32>
          %add3A_85 = arith.addi %iota3A, %add3A_84 : vector<16xi32>
          %and3A_86 = arith.constant 31 : i32
          %and3A_87 = vector.broadcast %and3A_86 : i32 to vector<16xi32>
          %and3A_88 = arith.andi %add3A_85, %and3A_87 : vector<16xi32>
          %mul3A_89 = arith.constant 32 : i32
          %mul3A_90 = vector.broadcast %mul3A_89 : i32 to vector<16xi32>
          %mul3A_91 = arith.muli %iota3A, %mul3A_90 : vector<16xi32>
          %add3A_92 = arith.addi %mul3A_91, %and3A_88 : vector<16xi32>
          %add3A_93 = arith.constant 0 : i32
          %add3A_94 = vector.broadcast %add3A_93 : i32 to vector<16xi32>
          %add3A_95 = arith.addi %iota3A, %add3A_94 : vector<16xi32>
          %gather3A = tpu.vector_load_idx %arg5[%and3A_88, %add3A_95] : memref<32x256xf32, #tpu.memory_space<vmem>>[vector<16xi32>, vector<16xi32>], vector<16xf32>,
          %add3A_96 = arith.constant 0 : i32
          %add3A_97 = vector.broadcast %add3A_96 : i32 to vector<16xi32>
          %add3A_98 = arith.addi %add3A_92, %add3A_97 : vector<16xi32>
          tpu.vector_store_idx %arg8[%add3A_98], %gather3A : memref<8192xf32, #tpu.memory_space<vmem>>[vector<16xi32>], vector<16xf32>,
          %add3A_99 = arith.constant 16 : i32
          %add3A_100 = vector.broadcast %add3A_99 : i32 to vector<16xi32>
          %add3A_101 = arith.addi %iota3A, %add3A_100 : vector<16xi32>
          %gather3A_102 = tpu.vector_load_idx %arg5[%and3A_88, %add3A_101] : memref<32x256xf32, #tpu.memory_space<vmem>>[vector<16xi32>, vector<16xi32>], vector<16xf32>,
          %add3A_103 = arith.constant 512 : i32
          %add3A_104 = vector.broadcast %add3A_103 : i32 to vector<16xi32>
          %add3A_105 = arith.addi %add3A_92, %add3A_104 : vector<16xi32>
          tpu.vector_store_idx %arg8[%add3A_105], %gather3A_102 : memref<8192xf32, #tpu.memory_space<vmem>>[vector<16xi32>], vector<16xf32>,
          %add3A_106 = arith.constant 32 : i32
          %add3A_107 = vector.broadcast %add3A_106 : i32 to vector<16xi32>
          %add3A_108 = arith.addi %iota3A, %add3A_107 : vector<16xi32>
          %gather3A_109 = tpu.vector_load_idx %arg5[%and3A_88, %add3A_108] : memref<32x256xf32, #tpu.memory_space<vmem>>[vector<16xi32>, vector<16xi32>], vector<16xf32>,
          %add3A_110 = arith.constant 1024 : i32
          %add3A_111 = vector.broadcast %add3A_110 : i32 to vector<16xi32>
          %add3A_112 = arith.addi %add3A_92, %add3A_111 : vector<16xi32>
          tpu.vector_store_idx %arg8[%add3A_112], %gather3A_109 : memref<8192xf32, #tpu.memory_space<vmem>>[vector<16xi32>], vector<16xf32>,
          %add3A_113 = arith.constant 48 : i32
          %add3A_114 = vector.broadcast %add3A_113 : i32 to vector<16xi32>
          %add3A_115 = arith.addi %iota3A, %add3A_114 : vector<16xi32>
          %gather3A_116 = tpu.vector_load_idx %arg5[%and3A_88, %add3A_115] : memref<32x256xf32, #tpu.memory_space<vmem>>[vector<16xi32>, vector<16xi32>], vector<16xf32>,
          %add3A_117 = arith.constant 1536 : i32
          %add3A_118 = vector.broadcast %add3A_117 : i32 to vector<16xi32>
          %add3A_119 = arith.addi %add3A_92, %add3A_118 : vector<16xi32>
          tpu.vector_store_idx %arg8[%add3A_119], %gather3A_116 : memref<8192xf32, #tpu.memory_space<vmem>>[vector<16xi32>], vector<16xf32>,
          %add3A_120 = arith.constant 64 : i32
          %add3A_121 = vector.broadcast %add3A_120 : i32 to vector<16xi32>
          %add3A_122 = arith.addi %iota3A, %add3A_121 : vector<16xi32>
          %gather3A_123 = tpu.vector_load_idx %arg5[%and3A_88, %add3A_122] : memref<32x256xf32, #tpu.memory_space<vmem>>[vector<16xi32>, vector<16xi32>], vector<16xf32>,
          %add3A_124 = arith.constant 2048 : i32
          %add3A_125 = vector.broadcast %add3A_124 : i32 to vector<16xi32>
          %add3A_126 = arith.addi %add3A_92, %add3A_125 : vector<16xi32>
          tpu.vector_store_idx %arg8[%add3A_126], %gather3A_123 : memref<8192xf32, #tpu.memory_space<vmem>>[vector<16xi32>], vector<16xf32>,
          %add3A_127 = arith.constant 80 : i32
          %add3A_128 = vector.broadcast %add3A_127 : i32 to vector<16xi32>
          %add3A_129 = arith.addi %iota3A, %add3A_128 : vector<16xi32>
          %gather3A_130 = tpu.vector_load_idx %arg5[%and3A_88, %add3A_129] : memref<32x256xf32, #tpu.memory_space<vmem>>[vector<16xi32>, vector<16xi32>], vector<16xf32>,
          %add3A_131 = arith.constant 2560 : i32
          %add3A_132 = vector.broadcast %add3A_131 : i32 to vector<16xi32>
          %add3A_133 = arith.addi %add3A_92, %add3A_132 : vector<16xi32>
          tpu.vector_store_idx %arg8[%add3A_133], %gather3A_130 : memref<8192xf32, #tpu.memory_space<vmem>>[vector<16xi32>], vector<16xf32>,
          %add3A_134 = arith.constant 96 : i32
          %add3A_135 = vector.broadcast %add3A_134 : i32 to vector<16xi32>
          %add3A_136 = arith.addi %iota3A, %add3A_135 : vector<16xi32>
          %gather3A_137 = tpu.vector_load_idx %arg5[%and3A_88, %add3A_136] : memref<32x256xf32, #tpu.memory_space<vmem>>[vector<16xi32>, vector<16xi32>], vector<16xf32>,
          %add3A_138 = arith.constant 3072 : i32
          %add3A_139 = vector.broadcast %add3A_138 : i32 to vector<16xi32>
          %add3A_140 = arith.addi %add3A_92, %add3A_139 : vector<16xi32>
          tpu.vector_store_idx %arg8[%add3A_140], %gather3A_137 : memref<8192xf32, #tpu.memory_space<vmem>>[vector<16xi32>], vector<16xf32>,
          %add3A_141 = arith.constant 112 : i32
          %add3A_142 = vector.broadcast %add3A_141 : i32 to vector<16xi32>
          %add3A_143 = arith.addi %iota3A, %add3A_142 : vector<16xi32>
          %gather3A_144 = tpu.vector_load_idx %arg5[%and3A_88, %add3A_143] : memref<32x256xf32, #tpu.memory_space<vmem>>[vector<16xi32>, vector<16xi32>], vector<16xf32>,
          %add3A_145 = arith.constant 3584 : i32
          %add3A_146 = vector.broadcast %add3A_145 : i32 to vector<16xi32>
          %add3A_147 = arith.addi %add3A_92, %add3A_146 : vector<16xi32>
          tpu.vector_store_idx %arg8[%add3A_147], %gather3A_144 : memref<8192xf32, #tpu.memory_space<vmem>>[vector<16xi32>], vector<16xf32>,
          %add3A_148 = arith.constant 128 : i32
          %add3A_149 = vector.broadcast %add3A_148 : i32 to vector<16xi32>
          %add3A_150 = arith.addi %iota3A, %add3A_149 : vector<16xi32>
          %gather3A_151 = tpu.vector_load_idx %arg5[%and3A_88, %add3A_150] : memref<32x256xf32, #tpu.memory_space<vmem>>[vector<16xi32>, vector<16xi32>], vector<16xf32>,
          %add3A_152 = arith.constant 4096 : i32
          %add3A_153 = vector.broadcast %add3A_152 : i32 to vector<16xi32>
          %add3A_154 = arith.addi %add3A_92, %add3A_153 : vector<16xi32>
          tpu.vector_store_idx %arg8[%add3A_154], %gather3A_151 : memref<8192xf32, #tpu.memory_space<vmem>>[vector<16xi32>], vector<16xf32>,
          %add3A_155 = arith.constant 144 : i32
          %add3A_156 = vector.broadcast %add3A_155 : i32 to vector<16xi32>
          %add3A_157 = arith.addi %iota3A, %add3A_156 : vector<16xi32>
          %gather3A_158 = tpu.vector_load_idx %arg5[%and3A_88, %add3A_157] : memref<32x256xf32, #tpu.memory_space<vmem>>[vector<16xi32>, vector<16xi32>], vector<16xf32>,
          %add3A_159 = arith.constant 4608 : i32
          %add3A_160 = vector.broadcast %add3A_159 : i32 to vector<16xi32>
          %add3A_161 = arith.addi %add3A_92, %add3A_160 : vector<16xi32>
          tpu.vector_store_idx %arg8[%add3A_161], %gather3A_158 : memref<8192xf32, #tpu.memory_space<vmem>>[vector<16xi32>], vector<16xf32>,
          %add3A_162 = arith.constant 160 : i32
          %add3A_163 = vector.broadcast %add3A_162 : i32 to vector<16xi32>
          %add3A_164 = arith.addi %iota3A, %add3A_163 : vector<16xi32>
          %gather3A_165 = tpu.vector_load_idx %arg5[%and3A_88, %add3A_164] : memref<32x256xf32, #tpu.memory_space<vmem>>[vector<16xi32>, vector<16xi32>], vector<16xf32>,
          %add3A_166 = arith.constant 5120 : i32
          %add3A_167 = vector.broadcast %add3A_166 : i32 to vector<16xi32>
          %add3A_168 = arith.addi %add3A_92, %add3A_167 : vector<16xi32>
          tpu.vector_store_idx %arg8[%add3A_168], %gather3A_165 : memref<8192xf32, #tpu.memory_space<vmem>>[vector<16xi32>], vector<16xf32>,
          %add3A_169 = arith.constant 176 : i32
          %add3A_170 = vector.broadcast %add3A_169 : i32 to vector<16xi32>
          %add3A_171 = arith.addi %iota3A, %add3A_170 : vector<16xi32>
          %gather3A_172 = tpu.vector_load_idx %arg5[%and3A_88, %add3A_171] : memref<32x256xf32, #tpu.memory_space<vmem>>[vector<16xi32>, vector<16xi32>], vector<16xf32>,
          %add3A_173 = arith.constant 5632 : i32
          %add3A_174 = vector.broadcast %add3A_173 : i32 to vector<16xi32>
          %add3A_175 = arith.addi %add3A_92, %add3A_174 : vector<16xi32>
          tpu.vector_store_idx %arg8[%add3A_175], %gather3A_172 : memref<8192xf32, #tpu.memory_space<vmem>>[vector<16xi32>], vector<16xf32>,
          %add3A_176 = arith.constant 192 : i32
          %add3A_177 = vector.broadcast %add3A_176 : i32 to vector<16xi32>
          %add3A_178 = arith.addi %iota3A, %add3A_177 : vector<16xi32>
          %gather3A_179 = tpu.vector_load_idx %arg5[%and3A_88, %add3A_178] : memref<32x256xf32, #tpu.memory_space<vmem>>[vector<16xi32>, vector<16xi32>], vector<16xf32>,
          %add3A_180 = arith.constant 6144 : i32
          %add3A_181 = vector.broadcast %add3A_180 : i32 to vector<16xi32>
          %add3A_182 = arith.addi %add3A_92, %add3A_181 : vector<16xi32>
          tpu.vector_store_idx %arg8[%add3A_182], %gather3A_179 : memref<8192xf32, #tpu.memory_space<vmem>>[vector<16xi32>], vector<16xf32>,
          %add3A_183 = arith.constant 208 : i32
          %add3A_184 = vector.broadcast %add3A_183 : i32 to vector<16xi32>
          %add3A_185 = arith.addi %iota3A, %add3A_184 : vector<16xi32>
          %gather3A_186 = tpu.vector_load_idx %arg5[%and3A_88, %add3A_185] : memref<32x256xf32, #tpu.memory_space<vmem>>[vector<16xi32>, vector<16xi32>], vector<16xf32>,
          %add3A_187 = arith.constant 6656 : i32
          %add3A_188 = vector.broadcast %add3A_187 : i32 to vector<16xi32>
          %add3A_189 = arith.addi %add3A_92, %add3A_188 : vector<16xi32>
          tpu.vector_store_idx %arg8[%add3A_189], %gather3A_186 : memref<8192xf32, #tpu.memory_space<vmem>>[vector<16xi32>], vector<16xf32>,
          %add3A_190 = arith.constant 224 : i32
          %add3A_191 = vector.broadcast %add3A_190 : i32 to vector<16xi32>
          %add3A_192 = arith.addi %iota3A, %add3A_191 : vector<16xi32>
          %gather3A_193 = tpu.vector_load_idx %arg5[%and3A_88, %add3A_192] : memref<32x256xf32, #tpu.memory_space<vmem>>[vector<16xi32>, vector<16xi32>], vector<16xf32>,
          %add3A_194 = arith.constant 7168 : i32
          %add3A_195 = vector.broadcast %add3A_194 : i32 to vector<16xi32>
          %add3A_196 = arith.addi %add3A_92, %add3A_195 : vector<16xi32>
          tpu.vector_store_idx %arg8[%add3A_196], %gather3A_193 : memref<8192xf32, #tpu.memory_space<vmem>>[vector<16xi32>], vector<16xf32>,
          %add3A_197 = arith.constant 240 : i32
          %add3A_198 = vector.broadcast %add3A_197 : i32 to vector<16xi32>
          %add3A_199 = arith.addi %iota3A, %add3A_198 : vector<16xi32>
          %gather3A_200 = tpu.vector_load_idx %arg5[%and3A_88, %add3A_199] : memref<32x256xf32, #tpu.memory_space<vmem>>[vector<16xi32>, vector<16xi32>], vector<16xf32>,
          %add3A_201 = arith.constant 7680 : i32
          %add3A_202 = vector.broadcast %add3A_201 : i32 to vector<16xi32>
          %add3A_203 = arith.addi %add3A_92, %add3A_202 : vector<16xi32>
          tpu.vector_store_idx %arg8[%add3A_203], %gather3A_200 : memref<8192xf32, #tpu.memory_space<vmem>>[vector<16xi32>], vector<16xf32>,
        }
        %scan3A_74 = arith.constant 32 : i32
        %mul3A_75 = arith.constant 256 : i32
        %mul3A_76 = arith.muli %add3A_52, %mul3A_75 : i32
        %multiple_of3A_77 = tpu.assume_multiple %mul3A_76, 256 : i32
        %mul3A_78 = arith.constant 32 : i32
        %mul3A_79 = arith.muli %multiple_of3A_77, %mul3A_78 : i32
        %multiple_of3A_80 = tpu.assume_multiple %mul3A_79, 64 : i32
        %dma_start3A_81 = tpu.memref_slice %arg3[%multiple_of3A_80] : memref<32000000xf32, #tpu.memory_space<hbm>> -> memref<8192xf32, #tpu.memory_space<hbm>>
        %dma_start3A_82 = tpu.memref_slice %arg3[%multiple_of3A_80] : memref<32000000xf32, #tpu.memory_space<hbm>> -> memref<8192xf32, #tpu.memory_space<hbm>>
        tpu.enqueue_dma source(%arg8 : memref<8192xf32, #tpu.memory_space<vmem>>) target(%dma_start3A_82 : memref<8192xf32, #tpu.memory_space<hbm>>) target_semaphore(%arg12 : memref<!tpu.dma_semaphore, #tpu.memory_space<semaphore_mem>>)
      } else {
      }
    }
    %while3A_21 = arith.constant 1 : i32
    scf.for %while3A_38 = %while3A_19 to %while3A_15 step %while3A_21  : i32 {
      %and3A = arith.constant 1 : i32
      %and3A_39 = arith.andi %while3A_38, %and3A : i32
      %eq3A_40 = arith.constant 0 : i32
      %eq3A_41 = arith.cmpi eq, %and3A_39, %eq3A_40 : i32
      %convert_element_type3A_42 = arith.extui %eq3A_41 : i1 to i32
      %cond3A_43 = arith.constant 0 : i32
      %cond3A_44 = arith.cmpi ne, %convert_element_type3A_42, %cond3A_43 : i32
      scf.if %cond3A_44 {
        %add3A_52 = arith.addi %add3A_4, %while3A_38 : i32
        %mul3A_53 = arith.constant 256 : i32
        %mul3A_54 = arith.muli %add3A_52, %mul3A_53 : i32
        %multiple_of3A_55 = tpu.assume_multiple %mul3A_54, 256 : i32
        %dma_wait3A_56 = arith.constant 0 : i32
        %dma_wait3A_57 = tpu.memref_slice %arg2[%dma_wait3A_56, %multiple_of3A_55] : memref<32x1000000xf32, #tpu.memory_space<hbm>> -> memref<32x256xf32, #tpu.memory_space<hbm>>
        %dma_wait3A_58 = arith.constant 0 : i32
        %dma_wait3A_59 = tpu.memref_slice %arg2[%dma_wait3A_58, %multiple_of3A_55] : memref<32x1000000xf32, #tpu.memory_space<hbm>> -> memref<32x256xf32, #tpu.memory_space<hbm>>
        tpu.wait_dma2 semaphore(%arg9 : memref<!tpu.dma_semaphore, #tpu.memory_space<semaphore_mem>>) src(%dma_wait3A_59 : memref<32x256xf32, #tpu.memory_space<hbm>>) dst(%arg4 : memref<32x256xf32, #tpu.memory_space<vmem>>)
        %add3A_60 = arith.constant 1 : i32
        %add3A_61 = arith.addi %while3A_38, %add3A_60 : i32
        %lt3A_62 = arith.cmpi slt, %add3A_61, %add3A_7 : i32
        %convert_element_type3A_63 = arith.extui %lt3A_62 : i1 to i32
        %cond3A_64 = arith.constant 0 : i32
        %cond3A_65 = arith.cmpi ne, %convert_element_type3A_63, %cond3A_64 : i32
        scf.if %cond3A_65 {
          %add3A_83 = arith.constant 1 : i32
          %add3A_84 = arith.addi %add3A_52, %add3A_83 : i32
          %mul3A_85 = arith.constant 256 : i32
          %mul3A_86 = arith.muli %add3A_84, %mul3A_85 : i32
          %multiple_of3A_87 = tpu.assume_multiple %mul3A_86, 256 : i32
          %dma_start3A_88 = arith.constant 0 : i32
          %dma_start3A_89 = tpu.memref_slice %arg2[%dma_start3A_88, %multiple_of3A_87] : memref<32x1000000xf32, #tpu.memory_space<hbm>> -> memref<32x256xf32, #tpu.memory_space<hbm>>
          %dma_start3A_90 = arith.constant 0 : i32
          %dma_start3A_91 = tpu.memref_slice %arg2[%dma_start3A_90, %multiple_of3A_87] : memref<32x1000000xf32, #tpu.memory_space<hbm>> -> memref<32x256xf32, #tpu.memory_space<hbm>>
          tpu.enqueue_dma source(%dma_start3A_91 : memref<32x256xf32, #tpu.memory_space<hbm>>) target(%arg5 : memref<32x256xf32, #tpu.memory_space<vmem>>) target_semaphore(%arg10 : memref<!tpu.dma_semaphore, #tpu.memory_space<semaphore_mem>>)
        } else {
        }
        %ge3A = arith.constant 2 : i32
        %ge3A_66 = arith.cmpi sge, %while3A_38, %ge3A : i32
        %convert_element_type3A_67 = arith.extui %ge3A_66 : i1 to i32
        %cond3A_68 = arith.constant 0 : i32
        %cond3A_69 = arith.cmpi ne, %convert_element_type3A_67, %cond3A_68 : i32
        scf.if %cond3A_69 {
          %mul3A_83 = arith.constant 256 : i32
          %mul3A_84 = arith.muli %add3A_52, %mul3A_83 : i32
          %multiple_of3A_85 = tpu.assume_multiple %mul3A_84, 256 : i32
          %mul3A_86 = arith.constant 32 : i32
          %mul3A_87 = arith.muli %multiple_of3A_85, %mul3A_86 : i32
          %multiple_of3A_88 = tpu.assume_multiple %mul3A_87, 64 : i32
          %dma_wait3A_89 = tpu.memref_slice %arg3[%multiple_of3A_88] : memref<32000000xf32, #tpu.memory_space<hbm>> -> memref<8192xf32, #tpu.memory_space<hbm>>
          %dma_wait3A_90 = tpu.memref_slice %arg3[%multiple_of3A_88] : memref<32000000xf32, #tpu.memory_space<hbm>> -> memref<8192xf32, #tpu.memory_space<hbm>>
          tpu.wait_dma2 semaphore(%arg11 : memref<!tpu.dma_semaphore, #tpu.memory_space<semaphore_mem>>) src(%arg7 : memref<8192xf32, #tpu.memory_space<vmem>>) dst(%dma_wait3A_90 : memref<8192xf32, #tpu.memory_space<hbm>>)
        } else {
        }
        %scan3A = arith.constant 0 : i32
        %scan3A_70 = arith.constant 0 : i32
        %scan3A_71 = arith.constant 32 : i32
        %scan3A_72 = arith.addi %scan3A_70, %scan3A_71 : i32
        %scan3A_73 = arith.constant 1 : i32
        scf.for %scan3A_83 = %scan3A_70 to %scan3A_72 step %scan3A_73  : i32 {
          %add3A_84 = vector.broadcast %scan3A_83 : i32 to vector<16xi32>
          %add3A_85 = arith.addi %iota3A, %add3A_84 : vector<16xi32>
          %and3A_86 = arith.constant 31 : i32
          %and3A_87 = vector.broadcast %and3A_86 : i32 to vector<16xi32>
          %and3A_88 = arith.andi %add3A_85, %and3A_87 : vector<16xi32>
          %mul3A_89 = arith.constant 32 : i32
          %mul3A_90 = vector.broadcast %mul3A_89 : i32 to vector<16xi32>
          %mul3A_91 = arith.muli %iota3A, %mul3A_90 : vector<16xi32>
          %add3A_92 = arith.addi %mul3A_91, %and3A_88 : vector<16xi32>
          %add3A_93 = arith.constant 0 : i32
          %add3A_94 = vector.broadcast %add3A_93 : i32 to vector<16xi32>
          %add3A_95 = arith.addi %iota3A, %add3A_94 : vector<16xi32>
          %gather3A = tpu.vector_load_idx %arg4[%and3A_88, %add3A_95] : memref<32x256xf32, #tpu.memory_space<vmem>>[vector<16xi32>, vector<16xi32>], vector<16xf32>,
          %add3A_96 = arith.constant 0 : i32
          %add3A_97 = vector.broadcast %add3A_96 : i32 to vector<16xi32>
          %add3A_98 = arith.addi %add3A_92, %add3A_97 : vector<16xi32>
          tpu.vector_store_idx %arg7[%add3A_98], %gather3A : memref<8192xf32, #tpu.memory_space<vmem>>[vector<16xi32>], vector<16xf32>,
          %add3A_99 = arith.constant 16 : i32
          %add3A_100 = vector.broadcast %add3A_99 : i32 to vector<16xi32>
          %add3A_101 = arith.addi %iota3A, %add3A_100 : vector<16xi32>
          %gather3A_102 = tpu.vector_load_idx %arg4[%and3A_88, %add3A_101] : memref<32x256xf32, #tpu.memory_space<vmem>>[vector<16xi32>, vector<16xi32>], vector<16xf32>,
          %add3A_103 = arith.constant 512 : i32
          %add3A_104 = vector.broadcast %add3A_103 : i32 to vector<16xi32>
          %add3A_105 = arith.addi %add3A_92, %add3A_104 : vector<16xi32>
          tpu.vector_store_idx %arg7[%add3A_105], %gather3A_102 : memref<8192xf32, #tpu.memory_space<vmem>>[vector<16xi32>], vector<16xf32>,
          %add3A_106 = arith.constant 32 : i32
          %add3A_107 = vector.broadcast %add3A_106 : i32 to vector<16xi32>
          %add3A_108 = arith.addi %iota3A, %add3A_107 : vector<16xi32>
          %gather3A_109 = tpu.vector_load_idx %arg4[%and3A_88, %add3A_108] : memref<32x256xf32, #tpu.memory_space<vmem>>[vector<16xi32>, vector<16xi32>], vector<16xf32>,
          %add3A_110 = arith.constant 1024 : i32
          %add3A_111 = vector.broadcast %add3A_110 : i32 to vector<16xi32>
          %add3A_112 = arith.addi %add3A_92, %add3A_111 : vector<16xi32>
          tpu.vector_store_idx %arg7[%add3A_112], %gather3A_109 : memref<8192xf32, #tpu.memory_space<vmem>>[vector<16xi32>], vector<16xf32>,
          %add3A_113 = arith.constant 48 : i32
          %add3A_114 = vector.broadcast %add3A_113 : i32 to vector<16xi32>
          %add3A_115 = arith.addi %iota3A, %add3A_114 : vector<16xi32>
          %gather3A_116 = tpu.vector_load_idx %arg4[%and3A_88, %add3A_115] : memref<32x256xf32, #tpu.memory_space<vmem>>[vector<16xi32>, vector<16xi32>], vector<16xf32>,
          %add3A_117 = arith.constant 1536 : i32
          %add3A_118 = vector.broadcast %add3A_117 : i32 to vector<16xi32>
          %add3A_119 = arith.addi %add3A_92, %add3A_118 : vector<16xi32>
          tpu.vector_store_idx %arg7[%add3A_119], %gather3A_116 : memref<8192xf32, #tpu.memory_space<vmem>>[vector<16xi32>], vector<16xf32>,
          %add3A_120 = arith.constant 64 : i32
          %add3A_121 = vector.broadcast %add3A_120 : i32 to vector<16xi32>
          %add3A_122 = arith.addi %iota3A, %add3A_121 : vector<16xi32>
          %gather3A_123 = tpu.vector_load_idx %arg4[%and3A_88, %add3A_122] : memref<32x256xf32, #tpu.memory_space<vmem>>[vector<16xi32>, vector<16xi32>], vector<16xf32>,
          %add3A_124 = arith.constant 2048 : i32
          %add3A_125 = vector.broadcast %add3A_124 : i32 to vector<16xi32>
          %add3A_126 = arith.addi %add3A_92, %add3A_125 : vector<16xi32>
          tpu.vector_store_idx %arg7[%add3A_126], %gather3A_123 : memref<8192xf32, #tpu.memory_space<vmem>>[vector<16xi32>], vector<16xf32>,
          %add3A_127 = arith.constant 80 : i32
          %add3A_128 = vector.broadcast %add3A_127 : i32 to vector<16xi32>
          %add3A_129 = arith.addi %iota3A, %add3A_128 : vector<16xi32>
          %gather3A_130 = tpu.vector_load_idx %arg4[%and3A_88, %add3A_129] : memref<32x256xf32, #tpu.memory_space<vmem>>[vector<16xi32>, vector<16xi32>], vector<16xf32>,
          %add3A_131 = arith.constant 2560 : i32
          %add3A_132 = vector.broadcast %add3A_131 : i32 to vector<16xi32>
          %add3A_133 = arith.addi %add3A_92, %add3A_132 : vector<16xi32>
          tpu.vector_store_idx %arg7[%add3A_133], %gather3A_130 : memref<8192xf32, #tpu.memory_space<vmem>>[vector<16xi32>], vector<16xf32>,
          %add3A_134 = arith.constant 96 : i32
          %add3A_135 = vector.broadcast %add3A_134 : i32 to vector<16xi32>
          %add3A_136 = arith.addi %iota3A, %add3A_135 : vector<16xi32>
          %gather3A_137 = tpu.vector_load_idx %arg4[%and3A_88, %add3A_136] : memref<32x256xf32, #tpu.memory_space<vmem>>[vector<16xi32>, vector<16xi32>], vector<16xf32>,
          %add3A_138 = arith.constant 3072 : i32
          %add3A_139 = vector.broadcast %add3A_138 : i32 to vector<16xi32>
          %add3A_140 = arith.addi %add3A_92, %add3A_139 : vector<16xi32>
          tpu.vector_store_idx %arg7[%add3A_140], %gather3A_137 : memref<8192xf32, #tpu.memory_space<vmem>>[vector<16xi32>], vector<16xf32>,
          %add3A_141 = arith.constant 112 : i32
          %add3A_142 = vector.broadcast %add3A_141 : i32 to vector<16xi32>
          %add3A_143 = arith.addi %iota3A, %add3A_142 : vector<16xi32>
          %gather3A_144 = tpu.vector_load_idx %arg4[%and3A_88, %add3A_143] : memref<32x256xf32, #tpu.memory_space<vmem>>[vector<16xi32>, vector<16xi32>], vector<16xf32>,
          %add3A_145 = arith.constant 3584 : i32
          %add3A_146 = vector.broadcast %add3A_145 : i32 to vector<16xi32>
          %add3A_147 = arith.addi %add3A_92, %add3A_146 : vector<16xi32>
          tpu.vector_store_idx %arg7[%add3A_147], %gather3A_144 : memref<8192xf32, #tpu.memory_space<vmem>>[vector<16xi32>], vector<16xf32>,
          %add3A_148 = arith.constant 128 : i32
          %add3A_149 = vector.broadcast %add3A_148 : i32 to vector<16xi32>
          %add3A_150 = arith.addi %iota3A, %add3A_149 : vector<16xi32>
          %gather3A_151 = tpu.vector_load_idx %arg4[%and3A_88, %add3A_150] : memref<32x256xf32, #tpu.memory_space<vmem>>[vector<16xi32>, vector<16xi32>], vector<16xf32>,
          %add3A_152 = arith.constant 4096 : i32
          %add3A_153 = vector.broadcast %add3A_152 : i32 to vector<16xi32>
          %add3A_154 = arith.addi %add3A_92, %add3A_153 : vector<16xi32>
          tpu.vector_store_idx %arg7[%add3A_154], %gather3A_151 : memref<8192xf32, #tpu.memory_space<vmem>>[vector<16xi32>], vector<16xf32>,
          %add3A_155 = arith.constant 144 : i32
          %add3A_156 = vector.broadcast %add3A_155 : i32 to vector<16xi32>
          %add3A_157 = arith.addi %iota3A, %add3A_156 : vector<16xi32>
          %gather3A_158 = tpu.vector_load_idx %arg4[%and3A_88, %add3A_157] : memref<32x256xf32, #tpu.memory_space<vmem>>[vector<16xi32>, vector<16xi32>], vector<16xf32>,
          %add3A_159 = arith.constant 4608 : i32
          %add3A_160 = vector.broadcast %add3A_159 : i32 to vector<16xi32>
          %add3A_161 = arith.addi %add3A_92, %add3A_160 : vector<16xi32>
          tpu.vector_store_idx %arg7[%add3A_161], %gather3A_158 : memref<8192xf32, #tpu.memory_space<vmem>>[vector<16xi32>], vector<16xf32>,
          %add3A_162 = arith.constant 160 : i32
          %add3A_163 = vector.broadcast %add3A_162 : i32 to vector<16xi32>
          %add3A_164 = arith.addi %iota3A, %add3A_163 : vector<16xi32>
          %gather3A_165 = tpu.vector_load_idx %arg4[%and3A_88, %add3A_164] : memref<32x256xf32, #tpu.memory_space<vmem>>[vector<16xi32>, vector<16xi32>], vector<16xf32>,
          %add3A_166 = arith.constant 5120 : i32
          %add3A_167 = vector.broadcast %add3A_166 : i32 to vector<16xi32>
          %add3A_168 = arith.addi %add3A_92, %add3A_167 : vector<16xi32>
          tpu.vector_store_idx %arg7[%add3A_168], %gather3A_165 : memref<8192xf32, #tpu.memory_space<vmem>>[vector<16xi32>], vector<16xf32>,
          %add3A_169 = arith.constant 176 : i32
          %add3A_170 = vector.broadcast %add3A_169 : i32 to vector<16xi32>
          %add3A_171 = arith.addi %iota3A, %add3A_170 : vector<16xi32>
          %gather3A_172 = tpu.vector_load_idx %arg4[%and3A_88, %add3A_171] : memref<32x256xf32, #tpu.memory_space<vmem>>[vector<16xi32>, vector<16xi32>], vector<16xf32>,
          %add3A_173 = arith.constant 5632 : i32
          %add3A_174 = vector.broadcast %add3A_173 : i32 to vector<16xi32>
          %add3A_175 = arith.addi %add3A_92, %add3A_174 : vector<16xi32>
          tpu.vector_store_idx %arg7[%add3A_175], %gather3A_172 : memref<8192xf32, #tpu.memory_space<vmem>>[vector<16xi32>], vector<16xf32>,
          %add3A_176 = arith.constant 192 : i32
          %add3A_177 = vector.broadcast %add3A_176 : i32 to vector<16xi32>
          %add3A_178 = arith.addi %iota3A, %add3A_177 : vector<16xi32>
          %gather3A_179 = tpu.vector_load_idx %arg4[%and3A_88, %add3A_178] : memref<32x256xf32, #tpu.memory_space<vmem>>[vector<16xi32>, vector<16xi32>], vector<16xf32>,
          %add3A_180 = arith.constant 6144 : i32
          %add3A_181 = vector.broadcast %add3A_180 : i32 to vector<16xi32>
          %add3A_182 = arith.addi %add3A_92, %add3A_181 : vector<16xi32>
          tpu.vector_store_idx %arg7[%add3A_182], %gather3A_179 : memref<8192xf32, #tpu.memory_space<vmem>>[vector<16xi32>], vector<16xf32>,
          %add3A_183 = arith.constant 208 : i32
          %add3A_184 = vector.broadcast %add3A_183 : i32 to vector<16xi32>
          %add3A_185 = arith.addi %iota3A, %add3A_184 : vector<16xi32>
          %gather3A_186 = tpu.vector_load_idx %arg4[%and3A_88, %add3A_185] : memref<32x256xf32, #tpu.memory_space<vmem>>[vector<16xi32>, vector<16xi32>], vector<16xf32>,
          %add3A_187 = arith.constant 6656 : i32
          %add3A_188 = vector.broadcast %add3A_187 : i32 to vector<16xi32>
          %add3A_189 = arith.addi %add3A_92, %add3A_188 : vector<16xi32>
          tpu.vector_store_idx %arg7[%add3A_189], %gather3A_186 : memref<8192xf32, #tpu.memory_space<vmem>>[vector<16xi32>], vector<16xf32>,
          %add3A_190 = arith.constant 224 : i32
          %add3A_191 = vector.broadcast %add3A_190 : i32 to vector<16xi32>
          %add3A_192 = arith.addi %iota3A, %add3A_191 : vector<16xi32>
          %gather3A_193 = tpu.vector_load_idx %arg4[%and3A_88, %add3A_192] : memref<32x256xf32, #tpu.memory_space<vmem>>[vector<16xi32>, vector<16xi32>], vector<16xf32>,
          %add3A_194 = arith.constant 7168 : i32
          %add3A_195 = vector.broadcast %add3A_194 : i32 to vector<16xi32>
          %add3A_196 = arith.addi %add3A_92, %add3A_195 : vector<16xi32>
          tpu.vector_store_idx %arg7[%add3A_196], %gather3A_193 : memref<8192xf32, #tpu.memory_space<vmem>>[vector<16xi32>], vector<16xf32>,
          %add3A_197 = arith.constant 240 : i32
          %add3A_198 = vector.broadcast %add3A_197 : i32 to vector<16xi32>
          %add3A_199 = arith.addi %iota3A, %add3A_198 : vector<16xi32>
          %gather3A_200 = tpu.vector_load_idx %arg4[%and3A_88, %add3A_199] : memref<32x256xf32, #tpu.memory_space<vmem>>[vector<16xi32>, vector<16xi32>], vector<16xf32>,
          %add3A_201 = arith.constant 7680 : i32
          %add3A_202 = vector.broadcast %add3A_201 : i32 to vector<16xi32>
          %add3A_203 = arith.addi %add3A_92, %add3A_202 : vector<16xi32>
          tpu.vector_store_idx %arg7[%add3A_203], %gather3A_200 : memref<8192xf32, #tpu.memory_space<vmem>>[vector<16xi32>], vector<16xf32>,
        }
        %scan3A_74 = arith.constant 32 : i32
        %mul3A_75 = arith.constant 256 : i32
        %mul3A_76 = arith.muli %add3A_52, %mul3A_75 : i32
        %multiple_of3A_77 = tpu.assume_multiple %mul3A_76, 256 : i32
        %mul3A_78 = arith.constant 32 : i32
        %mul3A_79 = arith.muli %multiple_of3A_77, %mul3A_78 : i32
        %multiple_of3A_80 = tpu.assume_multiple %mul3A_79, 64 : i32
        %dma_start3A_81 = tpu.memref_slice %arg3[%multiple_of3A_80] : memref<32000000xf32, #tpu.memory_space<hbm>> -> memref<8192xf32, #tpu.memory_space<hbm>>
        %dma_start3A_82 = tpu.memref_slice %arg3[%multiple_of3A_80] : memref<32000000xf32, #tpu.memory_space<hbm>> -> memref<8192xf32, #tpu.memory_space<hbm>>
        tpu.enqueue_dma source(%arg7 : memref<8192xf32, #tpu.memory_space<vmem>>) target(%dma_start3A_82 : memref<8192xf32, #tpu.memory_space<hbm>>) target_semaphore(%arg11 : memref<!tpu.dma_semaphore, #tpu.memory_space<semaphore_mem>>)
      } else {
      }
      %and3A_45 = arith.constant 1 : i32
      %and3A_46 = arith.andi %while3A_38, %and3A_45 : i32
      %eq3A_47 = arith.constant 1 : i32
      %eq3A_48 = arith.cmpi eq, %and3A_46, %eq3A_47 : i32
      %convert_element_type3A_49 = arith.extui %eq3A_48 : i1 to i32
      %cond3A_50 = arith.constant 0 : i32
      %cond3A_51 = arith.cmpi ne, %convert_element_type3A_49, %cond3A_50 : i32
      scf.if %cond3A_51 {
        %add3A_52 = arith.addi %add3A_4, %while3A_38 : i32
        %mul3A_53 = arith.constant 256 : i32
        %mul3A_54 = arith.muli %add3A_52, %mul3A_53 : i32
        %multiple_of3A_55 = tpu.assume_multiple %mul3A_54, 256 : i32
        %dma_wait3A_56 = arith.constant 0 : i32
        %dma_wait3A_57 = tpu.memref_slice %arg2[%dma_wait3A_56, %multiple_of3A_55] : memref<32x1000000xf32, #tpu.memory_space<hbm>> -> memref<32x256xf32, #tpu.memory_space<hbm>>
        %dma_wait3A_58 = arith.constant 0 : i32
        %dma_wait3A_59 = tpu.memref_slice %arg2[%dma_wait3A_58, %multiple_of3A_55] : memref<32x1000000xf32, #tpu.memory_space<hbm>> -> memref<32x256xf32, #tpu.memory_space<hbm>>
        tpu.wait_dma2 semaphore(%arg10 : memref<!tpu.dma_semaphore, #tpu.memory_space<semaphore_mem>>) src(%dma_wait3A_59 : memref<32x256xf32, #tpu.memory_space<hbm>>) dst(%arg5 : memref<32x256xf32, #tpu.memory_space<vmem>>)
        %add3A_60 = arith.constant 1 : i32
        %add3A_61 = arith.addi %while3A_38, %add3A_60 : i32
        %lt3A_62 = arith.cmpi slt, %add3A_61, %add3A_7 : i32
        %convert_element_type3A_63 = arith.extui %lt3A_62 : i1 to i32
        %cond3A_64 = arith.constant 0 : i32
        %cond3A_65 = arith.cmpi ne, %convert_element_type3A_63, %cond3A_64 : i32
        scf.if %cond3A_65 {
          %add3A_83 = arith.constant 1 : i32
          %add3A_84 = arith.addi %add3A_52, %add3A_83 : i32
          %mul3A_85 = arith.constant 256 : i32
          %mul3A_86 = arith.muli %add3A_84, %mul3A_85 : i32
          %multiple_of3A_87 = tpu.assume_multiple %mul3A_86, 256 : i32
          %dma_start3A_88 = arith.constant 0 : i32
          %dma_start3A_89 = tpu.memref_slice %arg2[%dma_start3A_88, %multiple_of3A_87] : memref<32x1000000xf32, #tpu.memory_space<hbm>> -> memref<32x256xf32, #tpu.memory_space<hbm>>
          %dma_start3A_90 = arith.constant 0 : i32
          %dma_start3A_91 = tpu.memref_slice %arg2[%dma_start3A_90, %multiple_of3A_87] : memref<32x1000000xf32, #tpu.memory_space<hbm>> -> memref<32x256xf32, #tpu.memory_space<hbm>>
          tpu.enqueue_dma source(%dma_start3A_91 : memref<32x256xf32, #tpu.memory_space<hbm>>) target(%arg4 : memref<32x256xf32, #tpu.memory_space<vmem>>) target_semaphore(%arg9 : memref<!tpu.dma_semaphore, #tpu.memory_space<semaphore_mem>>)
        } else {
        }
        %ge3A = arith.constant 2 : i32
        %ge3A_66 = arith.cmpi sge, %while3A_38, %ge3A : i32
        %convert_element_type3A_67 = arith.extui %ge3A_66 : i1 to i32
        %cond3A_68 = arith.constant 0 : i32
        %cond3A_69 = arith.cmpi ne, %convert_element_type3A_67, %cond3A_68 : i32
        scf.if %cond3A_69 {
          %mul3A_83 = arith.constant 256 : i32
          %mul3A_84 = arith.muli %add3A_52, %mul3A_83 : i32
          %multiple_of3A_85 = tpu.assume_multiple %mul3A_84, 256 : i32
          %mul3A_86 = arith.constant 32 : i32
          %mul3A_87 = arith.muli %multiple_of3A_85, %mul3A_86 : i32
          %multiple_of3A_88 = tpu.assume_multiple %mul3A_87, 64 : i32
          %dma_wait3A_89 = tpu.memref_slice %arg3[%multiple_of3A_88] : memref<32000000xf32, #tpu.memory_space<hbm>> -> memref<8192xf32, #tpu.memory_space<hbm>>
          %dma_wait3A_90 = tpu.memref_slice %arg3[%multiple_of3A_88] : memref<32000000xf32, #tpu.memory_space<hbm>> -> memref<8192xf32, #tpu.memory_space<hbm>>
          tpu.wait_dma2 semaphore(%arg12 : memref<!tpu.dma_semaphore, #tpu.memory_space<semaphore_mem>>) src(%arg8 : memref<8192xf32, #tpu.memory_space<vmem>>) dst(%dma_wait3A_90 : memref<8192xf32, #tpu.memory_space<hbm>>)
        } else {
        }
        %scan3A = arith.constant 0 : i32
        %scan3A_70 = arith.constant 0 : i32
        %scan3A_71 = arith.constant 32 : i32
        %scan3A_72 = arith.addi %scan3A_70, %scan3A_71 : i32
        %scan3A_73 = arith.constant 1 : i32
        scf.for %scan3A_83 = %scan3A_70 to %scan3A_72 step %scan3A_73  : i32 {
          %add3A_84 = vector.broadcast %scan3A_83 : i32 to vector<16xi32>
          %add3A_85 = arith.addi %iota3A, %add3A_84 : vector<16xi32>
          %and3A_86 = arith.constant 31 : i32
          %and3A_87 = vector.broadcast %and3A_86 : i32 to vector<16xi32>
          %and3A_88 = arith.andi %add3A_85, %and3A_87 : vector<16xi32>
          %mul3A_89 = arith.constant 32 : i32
          %mul3A_90 = vector.broadcast %mul3A_89 : i32 to vector<16xi32>
          %mul3A_91 = arith.muli %iota3A, %mul3A_90 : vector<16xi32>
          %add3A_92 = arith.addi %mul3A_91, %and3A_88 : vector<16xi32>
          %add3A_93 = arith.constant 0 : i32
          %add3A_94 = vector.broadcast %add3A_93 : i32 to vector<16xi32>
          %add3A_95 = arith.addi %iota3A, %add3A_94 : vector<16xi32>
          %gather3A = tpu.vector_load_idx %arg5[%and3A_88, %add3A_95] : memref<32x256xf32, #tpu.memory_space<vmem>>[vector<16xi32>, vector<16xi32>], vector<16xf32>,
          %add3A_96 = arith.constant 0 : i32
          %add3A_97 = vector.broadcast %add3A_96 : i32 to vector<16xi32>
          %add3A_98 = arith.addi %add3A_92, %add3A_97 : vector<16xi32>
          tpu.vector_store_idx %arg8[%add3A_98], %gather3A : memref<8192xf32, #tpu.memory_space<vmem>>[vector<16xi32>], vector<16xf32>,
          %add3A_99 = arith.constant 16 : i32
          %add3A_100 = vector.broadcast %add3A_99 : i32 to vector<16xi32>
          %add3A_101 = arith.addi %iota3A, %add3A_100 : vector<16xi32>
          %gather3A_102 = tpu.vector_load_idx %arg5[%and3A_88, %add3A_101] : memref<32x256xf32, #tpu.memory_space<vmem>>[vector<16xi32>, vector<16xi32>], vector<16xf32>,
          %add3A_103 = arith.constant 512 : i32
          %add3A_104 = vector.broadcast %add3A_103 : i32 to vector<16xi32>
          %add3A_105 = arith.addi %add3A_92, %add3A_104 : vector<16xi32>
          tpu.vector_store_idx %arg8[%add3A_105], %gather3A_102 : memref<8192xf32, #tpu.memory_space<vmem>>[vector<16xi32>], vector<16xf32>,
          %add3A_106 = arith.constant 32 : i32
          %add3A_107 = vector.broadcast %add3A_106 : i32 to vector<16xi32>
          %add3A_108 = arith.addi %iota3A, %add3A_107 : vector<16xi32>
          %gather3A_109 = tpu.vector_load_idx %arg5[%and3A_88, %add3A_108] : memref<32x256xf32, #tpu.memory_space<vmem>>[vector<16xi32>, vector<16xi32>], vector<16xf32>,
          %add3A_110 = arith.constant 1024 : i32
          %add3A_111 = vector.broadcast %add3A_110 : i32 to vector<16xi32>
          %add3A_112 = arith.addi %add3A_92, %add3A_111 : vector<16xi32>
          tpu.vector_store_idx %arg8[%add3A_112], %gather3A_109 : memref<8192xf32, #tpu.memory_space<vmem>>[vector<16xi32>], vector<16xf32>,
          %add3A_113 = arith.constant 48 : i32
          %add3A_114 = vector.broadcast %add3A_113 : i32 to vector<16xi32>
          %add3A_115 = arith.addi %iota3A, %add3A_114 : vector<16xi32>
          %gather3A_116 = tpu.vector_load_idx %arg5[%and3A_88, %add3A_115] : memref<32x256xf32, #tpu.memory_space<vmem>>[vector<16xi32>, vector<16xi32>], vector<16xf32>,
          %add3A_117 = arith.constant 1536 : i32
          %add3A_118 = vector.broadcast %add3A_117 : i32 to vector<16xi32>
          %add3A_119 = arith.addi %add3A_92, %add3A_118 : vector<16xi32>
          tpu.vector_store_idx %arg8[%add3A_119], %gather3A_116 : memref<8192xf32, #tpu.memory_space<vmem>>[vector<16xi32>], vector<16xf32>,
          %add3A_120 = arith.constant 64 : i32
          %add3A_121 = vector.broadcast %add3A_120 : i32 to vector<16xi32>
          %add3A_122 = arith.addi %iota3A, %add3A_121 : vector<16xi32>
          %gather3A_123 = tpu.vector_load_idx %arg5[%and3A_88, %add3A_122] : memref<32x256xf32, #tpu.memory_space<vmem>>[vector<16xi32>, vector<16xi32>], vector<16xf32>,
          %add3A_124 = arith.constant 2048 : i32
          %add3A_125 = vector.broadcast %add3A_124 : i32 to vector<16xi32>
          %add3A_126 = arith.addi %add3A_92, %add3A_125 : vector<16xi32>
          tpu.vector_store_idx %arg8[%add3A_126], %gather3A_123 : memref<8192xf32, #tpu.memory_space<vmem>>[vector<16xi32>], vector<16xf32>,
          %add3A_127 = arith.constant 80 : i32
          %add3A_128 = vector.broadcast %add3A_127 : i32 to vector<16xi32>
          %add3A_129 = arith.addi %iota3A, %add3A_128 : vector<16xi32>
          %gather3A_130 = tpu.vector_load_idx %arg5[%and3A_88, %add3A_129] : memref<32x256xf32, #tpu.memory_space<vmem>>[vector<16xi32>, vector<16xi32>], vector<16xf32>,
          %add3A_131 = arith.constant 2560 : i32
          %add3A_132 = vector.broadcast %add3A_131 : i32 to vector<16xi32>
          %add3A_133 = arith.addi %add3A_92, %add3A_132 : vector<16xi32>
          tpu.vector_store_idx %arg8[%add3A_133], %gather3A_130 : memref<8192xf32, #tpu.memory_space<vmem>>[vector<16xi32>], vector<16xf32>,
          %add3A_134 = arith.constant 96 : i32
          %add3A_135 = vector.broadcast %add3A_134 : i32 to vector<16xi32>
          %add3A_136 = arith.addi %iota3A, %add3A_135 : vector<16xi32>
          %gather3A_137 = tpu.vector_load_idx %arg5[%and3A_88, %add3A_136] : memref<32x256xf32, #tpu.memory_space<vmem>>[vector<16xi32>, vector<16xi32>], vector<16xf32>,
          %add3A_138 = arith.constant 3072 : i32
          %add3A_139 = vector.broadcast %add3A_138 : i32 to vector<16xi32>
          %add3A_140 = arith.addi %add3A_92, %add3A_139 : vector<16xi32>
          tpu.vector_store_idx %arg8[%add3A_140], %gather3A_137 : memref<8192xf32, #tpu.memory_space<vmem>>[vector<16xi32>], vector<16xf32>,
          %add3A_141 = arith.constant 112 : i32
          %add3A_142 = vector.broadcast %add3A_141 : i32 to vector<16xi32>
          %add3A_143 = arith.addi %iota3A, %add3A_142 : vector<16xi32>
          %gather3A_144 = tpu.vector_load_idx %arg5[%and3A_88, %add3A_143] : memref<32x256xf32, #tpu.memory_space<vmem>>[vector<16xi32>, vector<16xi32>], vector<16xf32>,
          %add3A_145 = arith.constant 3584 : i32
          %add3A_146 = vector.broadcast %add3A_145 : i32 to vector<16xi32>
          %add3A_147 = arith.addi %add3A_92, %add3A_146 : vector<16xi32>
          tpu.vector_store_idx %arg8[%add3A_147], %gather3A_144 : memref<8192xf32, #tpu.memory_space<vmem>>[vector<16xi32>], vector<16xf32>,
          %add3A_148 = arith.constant 128 : i32
          %add3A_149 = vector.broadcast %add3A_148 : i32 to vector<16xi32>
          %add3A_150 = arith.addi %iota3A, %add3A_149 : vector<16xi32>
          %gather3A_151 = tpu.vector_load_idx %arg5[%and3A_88, %add3A_150] : memref<32x256xf32, #tpu.memory_space<vmem>>[vector<16xi32>, vector<16xi32>], vector<16xf32>,
          %add3A_152 = arith.constant 4096 : i32
          %add3A_153 = vector.broadcast %add3A_152 : i32 to vector<16xi32>
          %add3A_154 = arith.addi %add3A_92, %add3A_153 : vector<16xi32>
          tpu.vector_store_idx %arg8[%add3A_154], %gather3A_151 : memref<8192xf32, #tpu.memory_space<vmem>>[vector<16xi32>], vector<16xf32>,
          %add3A_155 = arith.constant 144 : i32
          %add3A_156 = vector.broadcast %add3A_155 : i32 to vector<16xi32>
          %add3A_157 = arith.addi %iota3A, %add3A_156 : vector<16xi32>
          %gather3A_158 = tpu.vector_load_idx %arg5[%and3A_88, %add3A_157] : memref<32x256xf32, #tpu.memory_space<vmem>>[vector<16xi32>, vector<16xi32>], vector<16xf32>,
          %add3A_159 = arith.constant 4608 : i32
          %add3A_160 = vector.broadcast %add3A_159 : i32 to vector<16xi32>
          %add3A_161 = arith.addi %add3A_92, %add3A_160 : vector<16xi32>
          tpu.vector_store_idx %arg8[%add3A_161], %gather3A_158 : memref<8192xf32, #tpu.memory_space<vmem>>[vector<16xi32>], vector<16xf32>,
          %add3A_162 = arith.constant 160 : i32
          %add3A_163 = vector.broadcast %add3A_162 : i32 to vector<16xi32>
          %add3A_164 = arith.addi %iota3A, %add3A_163 : vector<16xi32>
          %gather3A_165 = tpu.vector_load_idx %arg5[%and3A_88, %add3A_164] : memref<32x256xf32, #tpu.memory_space<vmem>>[vector<16xi32>, vector<16xi32>], vector<16xf32>,
          %add3A_166 = arith.constant 5120 : i32
          %add3A_167 = vector.broadcast %add3A_166 : i32 to vector<16xi32>
          %add3A_168 = arith.addi %add3A_92, %add3A_167 : vector<16xi32>
          tpu.vector_store_idx %arg8[%add3A_168], %gather3A_165 : memref<8192xf32, #tpu.memory_space<vmem>>[vector<16xi32>], vector<16xf32>,
          %add3A_169 = arith.constant 176 : i32
          %add3A_170 = vector.broadcast %add3A_169 : i32 to vector<16xi32>
          %add3A_171 = arith.addi %iota3A, %add3A_170 : vector<16xi32>
          %gather3A_172 = tpu.vector_load_idx %arg5[%and3A_88, %add3A_171] : memref<32x256xf32, #tpu.memory_space<vmem>>[vector<16xi32>, vector<16xi32>], vector<16xf32>,
          %add3A_173 = arith.constant 5632 : i32
          %add3A_174 = vector.broadcast %add3A_173 : i32 to vector<16xi32>
          %add3A_175 = arith.addi %add3A_92, %add3A_174 : vector<16xi32>
          tpu.vector_store_idx %arg8[%add3A_175], %gather3A_172 : memref<8192xf32, #tpu.memory_space<vmem>>[vector<16xi32>], vector<16xf32>,
          %add3A_176 = arith.constant 192 : i32
          %add3A_177 = vector.broadcast %add3A_176 : i32 to vector<16xi32>
          %add3A_178 = arith.addi %iota3A, %add3A_177 : vector<16xi32>
          %gather3A_179 = tpu.vector_load_idx %arg5[%and3A_88, %add3A_178] : memref<32x256xf32, #tpu.memory_space<vmem>>[vector<16xi32>, vector<16xi32>], vector<16xf32>,
          %add3A_180 = arith.constant 6144 : i32
          %add3A_181 = vector.broadcast %add3A_180 : i32 to vector<16xi32>
          %add3A_182 = arith.addi %add3A_92, %add3A_181 : vector<16xi32>
          tpu.vector_store_idx %arg8[%add3A_182], %gather3A_179 : memref<8192xf32, #tpu.memory_space<vmem>>[vector<16xi32>], vector<16xf32>,
          %add3A_183 = arith.constant 208 : i32
          %add3A_184 = vector.broadcast %add3A_183 : i32 to vector<16xi32>
          %add3A_185 = arith.addi %iota3A, %add3A_184 : vector<16xi32>
          %gather3A_186 = tpu.vector_load_idx %arg5[%and3A_88, %add3A_185] : memref<32x256xf32, #tpu.memory_space<vmem>>[vector<16xi32>, vector<16xi32>], vector<16xf32>,
          %add3A_187 = arith.constant 6656 : i32
          %add3A_188 = vector.broadcast %add3A_187 : i32 to vector<16xi32>
          %add3A_189 = arith.addi %add3A_92, %add3A_188 : vector<16xi32>
          tpu.vector_store_idx %arg8[%add3A_189], %gather3A_186 : memref<8192xf32, #tpu.memory_space<vmem>>[vector<16xi32>], vector<16xf32>,
          %add3A_190 = arith.constant 224 : i32
          %add3A_191 = vector.broadcast %add3A_190 : i32 to vector<16xi32>
          %add3A_192 = arith.addi %iota3A, %add3A_191 : vector<16xi32>
          %gather3A_193 = tpu.vector_load_idx %arg5[%and3A_88, %add3A_192] : memref<32x256xf32, #tpu.memory_space<vmem>>[vector<16xi32>, vector<16xi32>], vector<16xf32>,
          %add3A_194 = arith.constant 7168 : i32
          %add3A_195 = vector.broadcast %add3A_194 : i32 to vector<16xi32>
          %add3A_196 = arith.addi %add3A_92, %add3A_195 : vector<16xi32>
          tpu.vector_store_idx %arg8[%add3A_196], %gather3A_193 : memref<8192xf32, #tpu.memory_space<vmem>>[vector<16xi32>], vector<16xf32>,
          %add3A_197 = arith.constant 240 : i32
          %add3A_198 = vector.broadcast %add3A_197 : i32 to vector<16xi32>
          %add3A_199 = arith.addi %iota3A, %add3A_198 : vector<16xi32>
          %gather3A_200 = tpu.vector_load_idx %arg5[%and3A_88, %add3A_199] : memref<32x256xf32, #tpu.memory_space<vmem>>[vector<16xi32>, vector<16xi32>], vector<16xf32>,
          %add3A_201 = arith.constant 7680 : i32
          %add3A_202 = vector.broadcast %add3A_201 : i32 to vector<16xi32>
          %add3A_203 = arith.addi %add3A_92, %add3A_202 : vector<16xi32>
          tpu.vector_store_idx %arg8[%add3A_203], %gather3A_200 : memref<8192xf32, #tpu.memory_space<vmem>>[vector<16xi32>], vector<16xf32>,
        }
        %scan3A_74 = arith.constant 32 : i32
        %mul3A_75 = arith.constant 256 : i32
        %mul3A_76 = arith.muli %add3A_52, %mul3A_75 : i32
        %multiple_of3A_77 = tpu.assume_multiple %mul3A_76, 256 : i32
        %mul3A_78 = arith.constant 32 : i32
        %mul3A_79 = arith.muli %multiple_of3A_77, %mul3A_78 : i32
        %multiple_of3A_80 = tpu.assume_multiple %mul3A_79, 64 : i32
        %dma_start3A_81 = tpu.memref_slice %arg3[%multiple_of3A_80] : memref<32000000xf32, #tpu.memory_space<hbm>> -> memref<8192xf32, #tpu.memory_space<hbm>>
        %dma_start3A_82 = tpu.memref_slice %arg3[%multiple_of3A_80] : memref<32000000xf32, #tpu.memory_space<hbm>> -> memref<8192xf32, #tpu.memory_space<hbm>>
        tpu.enqueue_dma source(%arg8 : memref<8192xf32, #tpu.memory_space<vmem>>) target(%dma_start3A_82 : memref<8192xf32, #tpu.memory_space<hbm>>) target_semaphore(%arg12 : memref<!tpu.dma_semaphore, #tpu.memory_space<semaphore_mem>>)
      } else {
      }
    }
    %multiple_of3A_22 = arith.constant 0 : i32
    %multiple_of3A_23 = tpu.assume_multiple %multiple_of3A_22, 256 : i32
    %mul3A_24 = arith.constant 32 : i32
    %mul3A_25 = arith.muli %multiple_of3A_23, %mul3A_24 : i32
    %multiple_of3A_26 = tpu.assume_multiple %mul3A_25, 64 : i32
    %dma_wait3A = tpu.memref_slice %arg3[%multiple_of3A_26] : memref<32000000xf32, #tpu.memory_space<hbm>> -> memref<8192xf32, #tpu.memory_space<hbm>>
    %dma_wait3A_27 = tpu.memref_slice %arg3[%multiple_of3A_26] : memref<32000000xf32, #tpu.memory_space<hbm>> -> memref<8192xf32, #tpu.memory_space<hbm>>
    tpu.wait_dma2 semaphore(%arg11 : memref<!tpu.dma_semaphore, #tpu.memory_space<semaphore_mem>>) src(%arg7 : memref<8192xf32, #tpu.memory_space<vmem>>) dst(%dma_wait3A_27 : memref<8192xf32, #tpu.memory_space<hbm>>)
    %multiple_of3A_28 = arith.constant 0 : i32
    %multiple_of3A_29 = tpu.assume_multiple %multiple_of3A_28, 256 : i32
    %mul3A_30 = arith.constant 32 : i32
    %mul3A_31 = arith.muli %multiple_of3A_29, %mul3A_30 : i32
    %multiple_of3A_32 = tpu.assume_multiple %mul3A_31, 64 : i32
    %dma_wait3A_33 = tpu.memref_slice %arg3[%multiple_of3A_32] : memref<32000000xf32, #tpu.memory_space<hbm>> -> memref<8192xf32, #tpu.memory_space<hbm>>
    %dma_wait3A_34 = tpu.memref_slice %arg3[%multiple_of3A_32] : memref<32000000xf32, #tpu.memory_space<hbm>> -> memref<8192xf32, #tpu.memory_space<hbm>>
    tpu.wait_dma2 semaphore(%arg12 : memref<!tpu.dma_semaphore, #tpu.memory_space<semaphore_mem>>) src(%arg8 : memref<8192xf32, #tpu.memory_space<vmem>>) dst(%dma_wait3A_34 : memref<8192xf32, #tpu.memory_space<hbm>>)
    %eq3A = arith.constant 31 : i32
    %eq3A_35 = arith.cmpi eq, %add3A, %eq3A : i32
    %convert_element_type3A_36 = arith.extui %eq3A_35 : i1 to i32
    %cond3A = arith.constant 0 : i32
    %cond3A_37 = arith.cmpi ne, %convert_element_type3A_36, %cond3A : i32
    scf.if %cond3A_37 {
      "tpu.region"() ({
        %run_scoped3A = tpu.sem_alloc : memref<!tpu.dma_semaphore, #tpu.memory_space<semaphore_mem>>
        %dma_start3A_43 = arith.constant 0 : i32
        %dma_start3A_44 = arith.constant 999936 : i32
        %dma_start3A_45 = tpu.memref_slice %arg2[%dma_start3A_43, %dma_start3A_44] : memref<32x1000000xf32, #tpu.memory_space<hbm>> -> memref<32x64xf32, #tpu.memory_space<hbm>>
        %dma_start3A_46 = arith.constant 0 : i32
        %dma_start3A_47 = arith.constant 999936 : i32
        %dma_start3A_48 = tpu.memref_slice %arg2[%dma_start3A_46, %dma_start3A_47] : memref<32x1000000xf32, #tpu.memory_space<hbm>> -> memref<32x64xf32, #tpu.memory_space<hbm>>
        tpu.enqueue_dma source(%dma_start3A_48 : memref<32x64xf32, #tpu.memory_space<hbm>>) target(%arg6 : memref<32x64xf32, #tpu.memory_space<vmem>>) target_semaphore(%run_scoped3A : memref<!tpu.dma_semaphore, #tpu.memory_space<semaphore_mem>>)
        %dma_wait3A_49 = arith.constant 0 : i32
        %dma_wait3A_50 = arith.constant 999936 : i32
        %dma_wait3A_51 = tpu.memref_slice %arg2[%dma_wait3A_49, %dma_wait3A_50] : memref<32x1000000xf32, #tpu.memory_space<hbm>> -> memref<32x64xf32, #tpu.memory_space<hbm>>
        %dma_wait3A_52 = arith.constant 0 : i32
        %dma_wait3A_53 = arith.constant 999936 : i32
        %dma_wait3A_54 = tpu.memref_slice %arg2[%dma_wait3A_52, %dma_wait3A_53] : memref<32x1000000xf32, #tpu.memory_space<hbm>> -> memref<32x64xf32, #tpu.memory_space<hbm>>
        tpu.wait_dma2 semaphore(%run_scoped3A : memref<!tpu.dma_semaphore, #tpu.memory_space<semaphore_mem>>) src(%dma_wait3A_54 : memref<32x64xf32, #tpu.memory_space<hbm>>) dst(%arg6 : memref<32x64xf32, #tpu.memory_space<vmem>>)
        tpu.yield
      }) : () -> ()
      %scan3A = arith.constant 0 : i32
      %scan3A_38 = arith.constant 0 : i32
      %scan3A_39 = arith.constant 32 : i32
      %scan3A_40 = arith.addi %scan3A_38, %scan3A_39 : i32
      %scan3A_41 = arith.constant 1 : i32
      scf.for %scan3A_43 = %scan3A_38 to %scan3A_40 step %scan3A_41  : i32 {
        %add3A_44 = vector.broadcast %scan3A_43 : i32 to vector<16xi32>
        %add3A_45 = arith.addi %iota3A, %add3A_44 : vector<16xi32>
        %and3A = arith.constant 31 : i32
        %and3A_46 = vector.broadcast %and3A : i32 to vector<16xi32>
        %and3A_47 = arith.andi %add3A_45, %and3A_46 : vector<16xi32>
        %mul3A_48 = arith.constant 32 : i32
        %mul3A_49 = vector.broadcast %mul3A_48 : i32 to vector<16xi32>
        %mul3A_50 = arith.muli %iota3A, %mul3A_49 : vector<16xi32>
        %add3A_51 = arith.addi %mul3A_50, %and3A_47 : vector<16xi32>
        %add3A_52 = arith.constant 0 : i32
        %add3A_53 = vector.broadcast %add3A_52 : i32 to vector<16xi32>
        %add3A_54 = arith.addi %iota3A, %add3A_53 : vector<16xi32>
        %gather3A = tpu.vector_load_idx %arg6[%and3A_47, %add3A_54] : memref<32x64xf32, #tpu.memory_space<vmem>>[vector<16xi32>, vector<16xi32>], vector<16xf32>,
        %add3A_55 = arith.constant 0 : i32
        %add3A_56 = vector.broadcast %add3A_55 : i32 to vector<16xi32>
        %add3A_57 = arith.addi %add3A_51, %add3A_56 : vector<16xi32>
        tpu.vector_store_idx %arg7[%add3A_57], %gather3A : memref<8192xf32, #tpu.memory_space<vmem>>[vector<16xi32>], vector<16xf32>,
        %add3A_58 = arith.constant 16 : i32
        %add3A_59 = vector.broadcast %add3A_58 : i32 to vector<16xi32>
        %add3A_60 = arith.addi %iota3A, %add3A_59 : vector<16xi32>
        %gather3A_61 = tpu.vector_load_idx %arg6[%and3A_47, %add3A_60] : memref<32x64xf32, #tpu.memory_space<vmem>>[vector<16xi32>, vector<16xi32>], vector<16xf32>,
        %add3A_62 = arith.constant 512 : i32
        %add3A_63 = vector.broadcast %add3A_62 : i32 to vector<16xi32>
        %add3A_64 = arith.addi %add3A_51, %add3A_63 : vector<16xi32>
        tpu.vector_store_idx %arg7[%add3A_64], %gather3A_61 : memref<8192xf32, #tpu.memory_space<vmem>>[vector<16xi32>], vector<16xf32>,
        %add3A_65 = arith.constant 32 : i32
        %add3A_66 = vector.broadcast %add3A_65 : i32 to vector<16xi32>
        %add3A_67 = arith.addi %iota3A, %add3A_66 : vector<16xi32>
        %gather3A_68 = tpu.vector_load_idx %arg6[%and3A_47, %add3A_67] : memref<32x64xf32, #tpu.memory_space<vmem>>[vector<16xi32>, vector<16xi32>], vector<16xf32>,
        %add3A_69 = arith.constant 1024 : i32
        %add3A_70 = vector.broadcast %add3A_69 : i32 to vector<16xi32>
        %add3A_71 = arith.addi %add3A_51, %add3A_70 : vector<16xi32>
        tpu.vector_store_idx %arg7[%add3A_71], %gather3A_68 : memref<8192xf32, #tpu.memory_space<vmem>>[vector<16xi32>], vector<16xf32>,
        %add3A_72 = arith.constant 48 : i32
        %add3A_73 = vector.broadcast %add3A_72 : i32 to vector<16xi32>
        %add3A_74 = arith.addi %iota3A, %add3A_73 : vector<16xi32>
        %gather3A_75 = tpu.vector_load_idx %arg6[%and3A_47, %add3A_74] : memref<32x64xf32, #tpu.memory_space<vmem>>[vector<16xi32>, vector<16xi32>], vector<16xf32>,
        %add3A_76 = arith.constant 1536 : i32
        %add3A_77 = vector.broadcast %add3A_76 : i32 to vector<16xi32>
        %add3A_78 = arith.addi %add3A_51, %add3A_77 : vector<16xi32>
        tpu.vector_store_idx %arg7[%add3A_78], %gather3A_75 : memref<8192xf32, #tpu.memory_space<vmem>>[vector<16xi32>], vector<16xf32>,
      }
      %scan3A_42 = arith.constant 32 : i32
      "tpu.region"() ({
        %run_scoped3A = tpu.sem_alloc : memref<!tpu.dma_semaphore, #tpu.memory_space<semaphore_mem>>
        %dma_start3A_43 = arith.constant 0 : i32
        %dma_start3A_44 = tpu.memref_slice %arg7[%dma_start3A_43] : memref<8192xf32, #tpu.memory_space<vmem>> -> memref<2048xf32, #tpu.memory_space<vmem>>
        %dma_start3A_45 = arith.constant 31997952 : i32
        %dma_start3A_46 = tpu.memref_slice %arg3[%dma_start3A_45] : memref<32000000xf32, #tpu.memory_space<hbm>> -> memref<2048xf32, #tpu.memory_space<hbm>>
        %dma_start3A_47 = arith.constant 31997952 : i32
        %dma_start3A_48 = tpu.memref_slice %arg3[%dma_start3A_47] : memref<32000000xf32, #tpu.memory_space<hbm>> -> memref<2048xf32, #tpu.memory_space<hbm>>
        %dma_start3A_49 = arith.constant 0 : i32
        %dma_start3A_50 = tpu.memref_slice %arg7[%dma_start3A_49] : memref<8192xf32, #tpu.memory_space<vmem>> -> memref<2048xf32, #tpu.memory_space<vmem>>
        tpu.enqueue_dma source(%dma_start3A_50 : memref<2048xf32, #tpu.memory_space<vmem>>) target(%dma_start3A_48 : memref<2048xf32, #tpu.memory_space<hbm>>) target_semaphore(%run_scoped3A : memref<!tpu.dma_semaphore, #tpu.memory_space<semaphore_mem>>)
        %dma_wait3A_51 = arith.constant 0 : i32
        %dma_wait3A_52 = tpu.memref_slice %arg7[%dma_wait3A_51] : memref<8192xf32, #tpu.memory_space<vmem>> -> memref<2048xf32, #tpu.memory_space<vmem>>
        %dma_wait3A_53 = arith.constant 31997952 : i32
        %dma_wait3A_54 = tpu.memref_slice %arg3[%dma_wait3A_53] : memref<32000000xf32, #tpu.memory_space<hbm>> -> memref<2048xf32, #tpu.memory_space<hbm>>
        %dma_wait3A_55 = arith.constant 31997952 : i32
        %dma_wait3A_56 = tpu.memref_slice %arg3[%dma_wait3A_55] : memref<32000000xf32, #tpu.memory_space<hbm>> -> memref<2048xf32, #tpu.memory_space<hbm>>
        %dma_wait3A_57 = arith.constant 0 : i32
        %dma_wait3A_58 = tpu.memref_slice %arg7[%dma_wait3A_57] : memref<8192xf32, #tpu.memory_space<vmem>> -> memref<2048xf32, #tpu.memory_space<vmem>>
        tpu.wait_dma2 semaphore(%run_scoped3A : memref<!tpu.dma_semaphore, #tpu.memory_space<semaphore_mem>>) src(%dma_wait3A_58 : memref<2048xf32, #tpu.memory_space<vmem>>) dst(%dma_wait3A_56 : memref<2048xf32, #tpu.memory_space<hbm>>)
        tpu.yield
      }) : () -> ()
    } else {
    }
    return
  }
}

</mosaic_0001>

<sc_bundles>
// kernel: _table_relayout.3.cloned.1.call-start
scs
__scs_entry_jumppad:
0x0: {  	(pc) =	sbr.rel $0x88, $3  }
0x1: {  	(tag) =	ssettag $0x0;
	lr =	simm.s32 $0x1  }
0x2: {  	[smem:$0x3FA0] =	sst lr;
	_ =	strace $0xD0000000  }
0x3: {  	_ = 	snop  }
0x4: {  	_ = 	snop  }
0x5: {  	_ = 	snop  }
0x6: {  	_ = 	snop  }
0x7: {  	_ = 	snop  }
__scs_overlays_trampoline_lowered:
0x8: {  	[smem:$0x3FAF] =	sst s0  }
0x9: {  	[smem:$0x3FB0] =	sst s1  }
0xa: {  	[smem:$0x3FB1] =	sst s2  }
0xb: {  	[smem:$0x3FB2] =	sst s3  }
0xc: {  	[smem:$0x3FB3] =	sst s4  }
0xd: {  	[smem:$0x3FB4] =	sst s5  }
0xe: {  	[smem:$0x3FB5] =	sst s6  }
0xf: {  	[smem:$0x3FB6] =	sst s7  }
0x10: {  	[smem:$0x3FB7] =	sst s8  }
0x11: {  	[smem:$0x3FB8] =	sst s9;
	s0 =	simm.s32 @!p0 $0x0  }
0x12: {  	s1 =	sld [smem:$0x3F9E];
	s0 =	simm.s32 @p0 $0x1  }
0x13: {  	[smem:$0x3FB9] =	sst s0;
	s0 =	simm.s32 @!p1 $0x0  }
0x14: {  	s2 =	sld [smem:$0x3F9D];
	s0 =	simm.s32 @p1 $0x1  }
0x15: {  	[smem:$0x3FBA] =	sst s0;
	s0 =	simm.s32 @!p2 $0x0  }
0x16: {  	s3 =	sld [smem:$0x3FDB];
	s0 =	simm.s32 @p2 $0x1  }
0x17: {  	s4 =	simm.s32 $0x1BF5;
	[smem:$0x3FBC] =	sst s0  }
0x18: {  	s0 =	sld [smem:$0x3F9F];
	_ =	swait.ge [sflag:s4], $0x0  }
0x19: {  	s7 =	sld [smem:$0x3FA0]  }
0x1a: {  	s8 =	sadd.s32 $0xFFFFE003, lr  }
0x1b: {  	s9 =	sadd.s32 $0xFFFFFEF7, lr;
	s5 =	simm.s32 $0xFFFFFFFF;
	p2 =	slt.u32 s8, $0xFFFFF086  }
0x1c: {  	p1 =	slt.u32 s9, $0xF7A;
	s5 =	simm.s32 @!p2 $0x0  }
0x1d: {  	s5 =	simm.s32 @p1 $0x1;
	p0 =	seq.s32 s7, s2  }
0x1e: {  	s7 =	smul.u32 @!p0 $0xF7A, s2;
	p2 =	seq.s32 @!p0 s5, $0x0  }
0x1f: {  	s9 =	smul.u32 $0xF7A, s1;
	s8 =	simm.s32 @!p0 $0x1BF5;
	p2 =	por !p2, p0  }
0x20: {  	[sflag:s8] =	ssyncset.s32 @!p0 $0xFFFFF086;
	s6 =	sadd.s32 @!p0 s3, s7;
	s7 =	simm.s32 @!p0 $0x108  }
0x21: {  	s3 =	sadd.s32 s3, s9;
	s6 =	sadd.s32 @!p0 $0x88, s6;
	s7 =	simm.s32 @p2 $0x1082  }
0x22: {  	[simem:s7], [sflag:s8] =	dma.local @!p0 [hbm:s6], $0xF7A  }
0x23: {  	s9 =	sor.u32 $0xD0000000, s2;
	s6 =	simm.s32 $0x108;
	_ =	swait.ge @!p0 [sflag:s8], $0x0  }
0x24: {  	s3 =	sadd.s32 $0x88, s3;
	s6 =	simm.s32 @!p1 $0x1082;
	[sflag:s4] =	ssyncset.s32 $0xFFFFF086  }
0x25: {  	[simem:s6], [sflag:s4] =	dma.local [hbm:s3], $0xF7A  }
0x26: {  	[smem:$0x3FA0] =	sst s1;
	(tag) =	ssettag s2;
	_ =	strace s9  }
0x27: {  	s1 =	sld [smem:$0x3FB0]  }
0x28: {  	s2 =	sld [smem:$0x3FB1]  }
0x29: {  	s4 =	sld [smem:$0x3FB3]  }
0x2a: {  	p0 =	seq.s32 s5, $0x0;
	s5 =	sld [smem:$0x3FB4]  }
0x2b: {  	s6 =	sld [smem:$0x3FB5]  }
0x2c: {  	s7 =	sld [smem:$0x3FB6]  }
0x2d: {  	s3 =	simm.s32 $0x108;
	s8 =	sld [smem:$0x3FB7]  }
0x2e: {  	s3 =	simm.s32 @!p0 $0x1082;
	s9 =	sld [smem:$0x3FB8]  }
0x2f: {  	lr =	sadd.s32 s0, s3;
	s0 =	sld [smem:$0x3FAF]  }
0x30: {  	s3 =	sld [smem:$0x3FB2]  }
0x31: {  	[smem:$0x3FBB] =	sst s10  }
0x32: {  	s10 =	sld [smem:$0x3FB9];
	_ =	sdelay $0x3  }
0x33: {  	p0 =	seq.s32 s10, $0x1;
	s10 =	sld [smem:$0x3FBB];
	_ =	sdelay $0x3  }
0x34: {  	[smem:$0x3FBB] =	sst s10  }
0x35: {  	s10 =	sld [smem:$0x3FBA];
	_ =	sdelay $0x3  }
0x36: {  	p1 =	seq.s32 s10, $0x1;
	s10 =	sld [smem:$0x3FBB];
	_ =	sdelay $0x3  }
0x37: {  	[smem:$0x3FBB] =	sst s10  }
0x38: {  	s10 =	sld [smem:$0x3FBC]  }
0x39: {  	_ = 	snop;
	(pc) =	sbr.ind lr, $3  }
0x3a: {  	_ = 	snop  }
0x3b: {  	_ = 	snop  }
0x3c: {  	p2 =	seq.s32 s10, $0x1;
	s10 =	sld [smem:$0x3FBB]  }
0x3d: {  	_ =	shalt  }
0x3e: {  	_ =	shalt  }
0x3f: {  	_ =	shalt  }
0x40: {  	_ =	shalt  }
0x41: {  	_ =	shalt  }
0x42: {  	_ =	shalt  }
0x43: {  	_ =	shalt  }
0x44: {  	_ =	shalt  }
0x45: {  	_ =	shalt  }
0x46: {  	_ =	shalt  }
0x47: {  	_ =	shalt  }
0x48: {  	_ =	shalt  }
0x49: {  	_ =	shalt  }
0x4a: {  	_ =	shalt  }
0x4b: {  	_ =	shalt  }
0x4c: {  	_ =	shalt  }
0x4d: {  	_ =	shalt  }
0x4e: {  	_ =	shalt  }
0x4f: {  	_ =	shalt  }
0x50: {  	_ =	shalt  }
0x51: {  	_ =	shalt  }
0x52: {  	_ =	shalt  }
0x53: {  	_ =	shalt  }
0x54: {  	_ =	shalt  }
0x55: {  	_ =	shalt  }
0x56: {  	_ =	shalt  }
0x57: {  	_ =	shalt  }
0x58: {  	_ =	shalt  }
0x59: {  	_ =	shalt  }
0x5a: {  	_ =	shalt  }
0x5b: {  	_ =	shalt  }
0x5c: {  	_ =	shalt  }
0x5d: {  	_ =	shalt  }
0x5e: {  	_ =	shalt  }
0x5f: {  	_ =	shalt  }
0x60: {  	_ =	shalt  }
0x61: {  	_ =	shalt  }
0x62: {  	_ =	shalt  }
0x63: {  	_ =	shalt  }
0x64: {  	_ =	shalt  }
0x65: {  	_ =	shalt  }
0x66: {  	_ =	shalt  }
0x67: {  	_ =	shalt  }
0x68: {  	_ =	shalt  }
0x69: {  	_ =	shalt  }
0x6a: {  	_ =	shalt  }
0x6b: {  	_ =	shalt  }
0x6c: {  	_ =	shalt  }
0x6d: {  	_ =	shalt  }
0x6e: {  	_ =	shalt  }
0x6f: {  	_ =	shalt  }
0x70: {  	_ =	shalt  }
0x71: {  	_ =	shalt  }
0x72: {  	_ =	shalt  }
0x73: {  	_ =	shalt  }
0x74: {  	_ =	shalt  }
0x75: {  	_ =	shalt  }
0x76: {  	_ =	shalt  }
0x77: {  	_ =	shalt  }
0x78: {  	_ =	shalt  }
0x79: {  	_ =	shalt  }
0x7a: {  	_ =	shalt  }
0x7b: {  	_ =	shalt  }
0x7c: {  	_ =	shalt  }
0x7d: {  	_ =	shalt  }
0x7e: {  	_ =	shalt  }
0x7f: {  	_ =	shalt  }
0x80: {  	_ =	shalt  }
0x81: {  	_ =	shalt  }
0x82: {  	_ =	shalt  }
0x83: {  	_ =	shalt  }
0x84: {  	_ =	shalt  }
0x85: {  	_ =	shalt  }
0x86: {  	_ =	shalt  }
0x87: {  	_ =	shalt  }
.Lfunc_end0:
.L_simem_size_0:
called_computation_lowered:
.L_overlay_start_0:
0x88: {  	s2 =	sld [smem:$0x3FD9]  }
0x89: {  	s3 =	sld [smem:$0x3FFE];
	_ =	sdelay $0x1  }
0x8a: {  	s1 =	srdreg.scid  }
0x8b: {  	s0 =	sand.u32 $0x1, s1  }
0x8c: {  	s18 =	sshll.u32 s0, $0xA;
	s2 =	sadd.s32 s3, s2  }
0x8d: {  	s2 =	sadd.s32 s2, s18  }
0x8e: {  	[smem:$0x3FC7] =	sst s2  }
0x8f: {  	_ = 	snop  }
0x90: {  	s2 =	sld [smem:$0x3FC9]  }
0x91: {  	s19 =	sld [smem:$0x3FD0];
	(tm) =	ssettm $0x1  }
0x92: {  	s4 =	sld [smem:$0x3FFB];
	_ =	sdelay $0x3  }
0x93: {  	_ =	strace s4  }
0x94: {  	s4 =	sld [smem:$0x3FFC];
	_ =	sdelay $0x3  }
0x95: {  	_ =	strace s4  }
0x96: {  	s4 =	sld [smem:$0x3FFD];
	_ =	sdelay $0x3  }
0x97: {  	_ =	strace s4  }
0x98: {  	_ =	strace $0x8FFFFFFF  }
0x99: {  	s20 =	sld [smem:$0x3FDB];
	_ =	sdelay $0x1  }
0x9a: {  	s5 =	simm.s32 $_scs_section_size  }
0x9b: {  	s6 =	simm.s32 $_size__tile_overlayer_lowered;
	s7 =	simm.s32 $_tile_overlayer_lowered  }
0x9c: {  	s23 =	simm.s32 $0x1BFF;
	s22 =	sshll.u32 s7, $0x1;
	s4 =	sadd.s32 s5, s20  }
0x9d: {  	s8 =	simm.s32 $0x0;
	s21 =	sshll.u32 s6, $0x1;
	s6 =	sadd.s32 s22, s4  }
0x9e: {  	[timem:s8], [sflag:s23] =	dma.local [hbm:s6], s21  }
0x9f: {  	_ =	swait.ge [sflag:s23], s21  }
0xa0: {  	s5 =	ssub.s32 $0x0, s21;
	[sflag:s23] =	ssyncset.done $0x0  }
0xa1: {  	[sflag:s23] =	ssyncadd.s32 s5;
	_ =	sdelay $0x1  }
0xa2: {  	s24 =	simm.s32 $0x1B8B  }
0xa3: {  	_ =	swait.ge [sflag:s24], $0x1  }
0xa4: {  	[sflag:s24] =	ssyncset.done $0x0  }
0xa5: {  	s25 =	simm.s32 $0x1B8E;
	[sflag:s24] =	ssyncadd.s32 $0xFFFFFFFF  }
0xa6: {  	s26 =	simm.s32 $execute0_lowered;
	[smem:$0x3FD2] =	sst s25  }
0xa7: {  	s5 =	sshll.u32 s26, $0x1;
	_ =	strace $0x80000046;
	[dreg:$0x1] =	wrdreg $0xFFFFFFFF  }
0xa8: {  	s28 =	simm.s32 $_size_execute0_lowered;
	s4 =	sadd.s32 s4, s5;
	[dreg:$0x0] =	wrdreg $0x0  }
0xa9: {  	s5 =	sshll.u32 s28, $0x1;
	[dreg:$0x2] =	wrdreg s4  }
0xaa: {  	[dreg:$0x3] =	wrdreg s5  }
0xab: {  	[dreg:$0x4] =	wrdreg $0xC0  }
0xac: {  	_ =	task [dreg:s8], $0x5FFFF  }
0xad: {  	[dreg:$0x1] =	wrdreg $0xFFFFFFFF  }
0xae: {  	[dreg:$0x0] =	wrdreg $0x60  }
0xaf: {  	[dreg:$0x2] =	wrdreg s2  }
0xb0: {  	[dreg:$0x3] =	wrdreg s19  }
0xb1: {  	[dreg:$0x4] =	wrdreg $0x9  }
0xb2: {  	_ =	task.clear_ibuf [dreg:s8], $0x5FFFF;
	_ =	strace $0x90000046  }
0xb3: {  	s29 =	simm.s32 $0x9;
	_ =	strace $0x80000048  }
0xb4: {  	_ =	swait.ge [sflag:s29], $0x1  }
0xb5: {  	[sflag:s29] =	ssyncadd.s32 $0xFFFFFFFF  }
0xb6: {  	_ =	strace $0x90000048  }
0xb7: {  	_ =	sfence  }
0xb8: {  	s30 =	sld [smem:$0x0];
	_ =	sdelay $0x2  }
0xb9: {  	s31 =	sshll.u32 s1, $0xD;
	s1 =	sshrl.u32 s1, $0x2  }
0xba: {  	s3 =	sand.u32 $0x4000, s31;
	s1 =	sadd.s32 s1, s30  }
0xbb: {  	s0 =	sor.u32 s3, s0;
	s1 =	sshll.u32 s1, $0x11  }
0xbc: {  	s0 =	sor.u32 s1, s0  }
0xbd: {  	s0 =	sadd.s32 $0x8F2B, s0  }
0xbe: {  	[sflag:s0] =	ssyncadd.remote.s32 $0x1  }
0xbf: {  	_ =	sfence.sel $0xFFFF  }
0xc0: {  	[dreg:$0x0] =	wrdreg $0xFFFFFFFF;
	(pc) =	sbr.abs _section_cstart, $3  }
0xc1: {  	[dreg:$0x1] =	wrdreg $0xFFFFFFFF  }
0xc2: {  	_ =	task.clear_ibuf [dreg:s8], $0x2FFFF;
	_ =	strace $0x9FFFFFFF  }
0xc3: {  	(tm) =	ssettm $0x7FFFFFFF  }
tec
execute0_lowered:
.L_overlay_start_1:
0x0: {  	(tag) =	ssettag $0x1  }
0x1: {  	s2 =	srdreg.scid;
	s1 =	rddreg [dreg:$0x0]  }
0x2: {  	s0 =	stileid.u32;
	s3 =	rddreg [dreg:$0x1]  }
0x3: {  	v0 =	vlaneseq.u32;
	s4 =	simm.s32 $0x0;
	s12 =	simm.s32 $0x800;
	s13 =	simm.s32 $0x7A1400  }
0x4: {  	s14 =	simm.s32 $0x2;
	s15 =	simm.s32 $0x2000;
	s16 =	simm.s32 $0x7000;
	v1 =	vmul.u32 $0x20, v0  }
0x5: {  	s18 =	simm.s32 $0x4;
	s19 =	simm.s32 $0x400;
	s20 =	simm.s32 $0x4000;
	v2 =	vor.u32 $0x10, v0;
	v4 =	vor.u32 $0x20, v0;
	v6 =	vor.u32 $0x30, v0  }
0x6: {  	s21 =	simm.s32 $0x5;
	s22 =	simm.s32 $0x5000;
	s23 =	simm.s32 $0x1;
	v8 =	vor.u32 $0x40, v0;
	v10 =	vor.u32 $0x50, v0;
	v12 =	vor.u32 $0x60, v0  }
0x7: {  	s24 =	simm.s32 $0x0;
	s5 =	sand.u32 $0x1, s2;
	s30 =	sshll.u32 s0, $0x1;
	v14 =	vor.u32 $0x70, v0;
	v16 =	vor.u32 $0x400, v0;
	v18 =	vor.u32 $0x410, v0  }
0x8: {  	[smem:$0x7FF] =	sst s4;
	p0 =	seq.s32 s0, $0x0;
	v20 =	vor.u32 $0x420, v0;
	v22 =	vor.u32 $0x430, v0;
	v24 =	vor.u32 $0x440, v0;
	s17 =	sor.u32 s5, s30  }
0x9: {  	s10 =	sadd.s32 $0x3D0800, s3;
	v26 =	vor.u32 $0x450, v0;
	v28 =	vor.u32 $0x460, v0;
	v30 =	vor.u32 $0x470, v0;
	s7 =	ssub.s32 $0x2, s5;
	s6 =	smul.u32 $0x7A, s17  }
.Ltmp0:
0xa: {  	s31 =	smin.u32 s17, $0x2;
	v3 =	vor.u32 $0x200, v1;
	s8 =	sshrl.u32 s7, $0x1;
	v5 =	vor.u32 $0x400, v1;
	v7 =	vor.u32 $0x600, v1;
	(pc) =	sbr.rel .LBB2_1-.Ltmp0, $4  }
0xb: {  	_ =	strace $0x80000047;
	v9 =	vor.u32 $0x800, v1;
	v11 =	vor.u32 $0xA00, v1;
	v13 =	vor.u32 $0xC00, v1;
	s11 =	ssub.s32 s7, s8;
	s5 =	sadd.s32 s31, s6  }
0xc: {  	v15 =	vor.u32 $0xE00, v1;
	v17 =	vor.u32 $0x1000, v1;
	v19 =	vor.u32 $0x1200, v1;
	s6 =	simm.s32 $0x7B;
	s11 =	smax.u32 s11, $0x1;
	s9 =	sshll.u32 s5, $0x8  }
0xd: {  	v21 =	vor.u32 $0x1400, v1;
	v23 =	vor.u32 $0x1600, v1;
	v25 =	vor.u32 $0x1800, v1;
	s6 =	simm.s32 @!p0 $0x7A;
	p0 =	sne.s32 s17, $0x1F;
	s17 =	simm.s32 $0x3  }
0xe: {  	v27 =	vor.u32 $0x1A00, v1;
	v29 =	vor.u32 $0x1C00, v1;
	v31 =	vor.u32 $0x1E00, v1;
	s7 =	sadd.s32 s1, s9;
	s8 =	sadd.s32 $0xFFFFFFFF, s6;
	s9 =	sadd.s32 $0xF4200, s1  }
.LBB2_13:
0xf: {  	_ =	sdelay $0x2  }
0x10: {  	v34 =	vand.u32 $0x1F, v34  }
0x11: {  	v33 =	vld.idx.msk [tilespmem:v33+s20+$0x0], $0xffff;
	v32 =	vor.u32 v7, v32;
	v35 =	vshll.u32 v34, $0x7  }
0x12: {  	v36 =	vor.u32 v0, v35;
	_ =	sdelay $0x3  }
0x13: {  	[tilespmem:v32+s22+$0x0] =	vst.idx.msk $0xffff, v33  }
0x14: {  	v58 =	vor.u32 v1, v34;
	v32 =	vld.idx.msk [tilespmem:v36+s20+$0x0], $0xffff  }
0x15: {  	v59 =	vor.u32 v2, v35;
	_ =	sdelay $0x3  }
0x16: {  	[tilespmem:v58+s22+$0x0] =	vst.idx.msk $0xffff, v32  }
0x17: {  	v60 =	vor.u32 v3, v34;
	v32 =	vld.idx.msk [tilespmem:v59+s20+$0x0], $0xffff  }
0x18: {  	v61 =	vor.u32 v4, v35;
	_ =	sdelay $0x3  }
0x19: {  	[tilespmem:v60+s22+$0x0] =	vst.idx.msk $0xffff, v32  }
0x1a: {  	v62 =	vor.u32 v5, v34;
	v32 =	vld.idx.msk [tilespmem:v61+s20+$0x0], $0xffff  }
0x1b: {  	v35 =	vor.u32 v6, v35;
	_ =	sdelay $0x3  }
0x1c: {  	[tilespmem:v62+s22+$0x0] =	vst.idx.msk $0xffff, v32  }
0x1d: {  	v63 =	vor.u32 v7, v34;
	v32 =	vld.idx.msk [tilespmem:v35+s20+$0x0], $0xffff;
	_ =	sdelay $0x4  }
0x1e: {  	[tilespmem:v63+s22+$0x0] =	vst.idx.msk $0xffff, v32  }
0x1f: {  	[hbm4b:s10+s4] =	stream.linear.scatter [tilespmem:s22], [sflag:$0x5], $0x800, $0x38;
	[tilespmem:$0x9000] =	vst v63  }
0x20: {  	_ =	swait.ge [sflag:s21], $0x800  }
0x21: {  	[sflag:s21] =	ssyncset.done $0x0  }
0x22: {  	[sflag:s21] =	ssyncadd.s32 $0xFFFFF800  }
.LBB2_14:
0x23: {  	s24 =	sadd.s32 $0x1, s24  }
0x24: {  	p1 =	sne.s32 s24, s11  }
.Ltmp1:
0x25: {  	_ = 	snop;
	(pc) =	sbr.rel @!p1 .LBB2_15-.Ltmp1, $1  }
0x26: {  	_ =	sdelay $0x3  }
.LBB2_1:
.Ltmp2:
0x27: {  	(pc) =	sbr.rel .LBB2_2-.Ltmp2, $3  }
0x28: {  	_ =	sdelay $0x1  }
0x29: {  	[tilespmem:s4], [sflag:$0x1] =	stream.strided.gather [hbm4b:s7+s12], $0x2000, s13, s12, $0x38;
	[tilespmem:$0x9000] =	vst v63  }
0x2a: {  	s25 =	simm.s32 $0x0  }
.LBB2_9:
0x2b: {  	s25 =	sadd.s32 $0x1, s25  }
0x2c: {  	p1 =	sne.s32 s25, s6  }
.Ltmp3:
0x2d: {  	_ = 	snop;
	(pc) =	sbr.rel @!p1 .LBB2_10-.Ltmp3, $1  }
0x2e: {  	_ =	sdelay $0x3  }
.LBB2_2:
0x2f: {  	s28 =	sand.u32 $0x1, s25  }
0x30: {  	p1 =	seq.s32 s28, $0x1  }
.Ltmp4:
0x31: {  	_ = 	snop;
	(pc) =	sbr.rel @p1 .LBB2_6-.Ltmp4, $2  }
0x32: {  	_ =	sdelay $0x2  }
0x33: {  	s26 =	sadd.s32 s5, s25  }
0x34: {  	p1 =	sge.u32 s25, s8  }
0x35: {  	_ =	swait.ge [sflag:s23], $0x2000;
	s30 =	simm.s32 $0x0;
	s29 =	sshll.u32 @!p1 s26, $0x8  }
0x36: {  	[sflag:s23] =	ssyncset.done $0x0;
	v32 =	vadd.s32 s30, v0;
	s29 =	sand.u32 @!p1 $0x1FFFFF00, s29  }
0x37: {  	s30 =	simm.s32 @!p1 $0x800;
	s31 =	simm.s32 @!p1 $0x7A1400;
	v33 =	vshll.u32 v32, $0x8;
	v34 =	vshll.u32 v32, $0x7;
	s29 =	sadd.s32 @!p1 s1, s29  }
0x38: {  	s2 =	simm.s32 @!p1 $0x2000;
	[sflag:s23] =	ssyncadd.s32 $0xFFFFE000;
	v33 =	vand.u32 $0x1800, v33;
	v34 =	vand.u32 $0x380, v34;
	s29 =	sadd.s32 @!p1 $0x100, s29  }
0x39: {  	v33 =	vor.u32 v34, v33;
	[tilespmem:s2], [sflag:$0x2] =	stream.strided.gather @!p1 [hbm4b:s29+s30], $0x2000, s31, s30, $0x38;
	[tilespmem:$0x9000] =	vst v63  }
0x3a: {  	p1 =	slt.u32 s25, $0x2;
	v34 =	vor.u32 v0, v33  }
0x3b: {  	s2 =	simm.s32 @!p1 $0x3  }
0x3c: {  	_ =	swait.ge @!p1 [sflag:s2], $0x2000  }
0x3d: {  	[sflag:s2] =	ssyncset.done @!p1 $0x0  }
0x3e: {  	v32 =	vand.u32 $0x1F, v32;
	[sflag:s2] =	ssyncadd.s32 @!p1 $0xFFFFE000  }
0x3f: {  	v35 =	vor.u32 v1, v32;
	v34 =	vld.idx.msk [tilespmem:v34+s4+$0x0], $0xffff  }
0x40: {  	v36 =	vor.u32 v2, v33;
	_ =	sdelay $0x3  }
0x41: {  	[tilespmem:v35+s22+$0x0] =	vst.idx.msk $0xffff, v34  }
0x42: {  	v62 =	vor.u32 v3, v32;
	v34 =	vld.idx.msk [tilespmem:v36+s4+$0x0], $0xffff  }
0x43: {  	v63 =	vor.u32 v4, v33;
	_ =	sdelay $0x3  }
0x44: {  	[tilespmem:v62+s22+$0x0] =	vst.idx.msk $0xffff, v34  }
0x45: {  	v40 =	vor.u32 v5, v32;
	v34 =	vld.idx.msk [tilespmem:v63+s4+$0x0], $0xffff  }
0x46: {  	v41 =	vor.u32 v6, v33;
	_ =	sdelay $0x3  }
0x47: {  	[tilespmem:v40+s22+$0x0] =	vst.idx.msk $0xffff, v34  }
0x48: {  	v42 =	vor.u32 v7, v32;
	v34 =	vld.idx.msk [tilespmem:v41+s4+$0x0], $0xffff  }
0x49: {  	v43 =	vor.u32 v8, v33;
	_ =	sdelay $0x3  }
0x4a: {  	[tilespmem:v42+s22+$0x0] =	vst.idx.msk $0xffff, v34  }
0x4b: {  	v44 =	vor.u32 v9, v32;
	v34 =	vld.idx.msk [tilespmem:v43+s4+$0x0], $0xffff  }
0x4c: {  	v45 =	vor.u32 v10, v33;
	_ =	sdelay $0x3  }
0x4d: {  	[tilespmem:v44+s22+$0x0] =	vst.idx.msk $0xffff, v34  }
0x4e: {  	v46 =	vor.u32 v11, v32;
	v34 =	vld.idx.msk [tilespmem:v45+s4+$0x0], $0xffff  }
0x4f: {  	v47 =	vor.u32 v12, v33;
	_ =	sdelay $0x3  }
0x50: {  	[tilespmem:v46+s22+$0x0] =	vst.idx.msk $0xffff, v34  }
0x51: {  	v48 =	vor.u32 v13, v32;
	v34 =	vld.idx.msk [tilespmem:v47+s4+$0x0], $0xffff  }
0x52: {  	v49 =	vor.u32 v14, v33;
	_ =	sdelay $0x3  }
0x53: {  	[tilespmem:v48+s22+$0x0] =	vst.idx.msk $0xffff, v34  }
0x54: {  	v50 =	vor.u32 v15, v32;
	v34 =	vld.idx.msk [tilespmem:v49+s4+$0x0], $0xffff  }
0x55: {  	v51 =	vor.u32 v16, v33;
	_ =	sdelay $0x3  }
0x56: {  	[tilespmem:v50+s22+$0x0] =	vst.idx.msk $0xffff, v34  }
0x57: {  	v52 =	vor.u32 v17, v32;
	v34 =	vld.idx.msk [tilespmem:v51+s4+$0x0], $0xffff  }
0x58: {  	v53 =	vor.u32 v18, v33;
	_ =	sdelay $0x3  }
0x59: {  	[tilespmem:v52+s22+$0x0] =	vst.idx.msk $0xffff, v34  }
0x5a: {  	v54 =	vor.u32 v19, v32;
	v34 =	vld.idx.msk [tilespmem:v53+s4+$0x0], $0xffff  }
0x5b: {  	v55 =	vor.u32 v20, v33;
	_ =	sdelay $0x3  }
0x5c: {  	[tilespmem:v54+s22+$0x0] =	vst.idx.msk $0xffff, v34  }
0x5d: {  	v56 =	vor.u32 v21, v32;
	v34 =	vld.idx.msk [tilespmem:v55+s4+$0x0], $0xffff  }
0x5e: {  	v57 =	vor.u32 v22, v33;
	_ =	sdelay $0x3  }
0x5f: {  	[tilespmem:v56+s22+$0x0] =	vst.idx.msk $0xffff, v34  }
0x60: {  	v58 =	vor.u32 v23, v32;
	v34 =	vld.idx.msk [tilespmem:v57+s4+$0x0], $0xffff  }
0x61: {  	v59 =	vor.u32 v24, v33;
	_ =	sdelay $0x3  }
0x62: {  	[tilespmem:v58+s22+$0x0] =	vst.idx.msk $0xffff, v34  }
0x63: {  	v60 =	vor.u32 v25, v32;
	v34 =	vld.idx.msk [tilespmem:v59+s4+$0x0], $0xffff  }
0x64: {  	v61 =	vor.u32 v26, v33;
	_ =	sdelay $0x3  }
0x65: {  	[tilespmem:v60+s22+$0x0] =	vst.idx.msk $0xffff, v34  }
0x66: {  	v62 =	vor.u32 v27, v32;
	v34 =	vld.idx.msk [tilespmem:v61+s4+$0x0], $0xffff  }
0x67: {  	v63 =	vor.u32 v28, v33;
	_ =	sdelay $0x3  }
0x68: {  	[tilespmem:v62+s22+$0x0] =	vst.idx.msk $0xffff, v34  }
0x69: {  	v36 =	vor.u32 v29, v32;
	v35 =	vld.idx.msk [tilespmem:v63+s4+$0x0], $0xffff  }
0x6a: {  	v33 =	vor.u32 v30, v33;
	_ =	sdelay $0x1  }
0x6b: {  	s31 =	simm.s32 $0x1  }
0x6c: {  	s29 =	simm.s32 $0x2;
	v34 =	vadd.s32 s31, v0  }
.LBB2_4:
0x6d: {  	p1 =	sne.s32 s29, $0x1F;
	v37 =	vshll.u32 v34, $0x8;
	v38 =	vshll.u32 v34, $0x7;
	[tilespmem:v36+s22+$0x0] =	vst.idx.msk $0xffff, v35  }
0x6e: {  	v35 =	vand.u32 $0x1800, v37;
	v36 =	vand.u32 $0x380, v38;
	v37 =	vld.idx.msk [tilespmem:v33+s4+$0x0], $0xffff  }
0x6f: {  	v32 =	vor.u32 v31, v32;
	v33 =	vor.u32 v36, v35  }
0x70: {  	v35 =	vor.u32 v0, v33;
	_ =	sdelay $0x3  }
0x71: {  	[tilespmem:v32+s22+$0x0] =	vst.idx.msk $0xffff, v37  }
0x72: {  	v32 =	vand.u32 $0x1F, v34;
	v34 =	vld.idx.msk [tilespmem:v35+s4+$0x0], $0xffff  }
0x73: {  	v35 =	vor.u32 v1, v32  }
0x74: {  	v36 =	vor.u32 v2, v33;
	_ =	sdelay $0x3  }
0x75: {  	[tilespmem:v35+s22+$0x0] =	vst.idx.msk $0xffff, v34  }
0x76: {  	v34 =	vld.idx.msk [tilespmem:v36+s4+$0x0], $0xffff  }
0x77: {  	v35 =	vor.u32 v3, v32  }
0x78: {  	v36 =	vor.u32 v4, v33;
	_ =	sdelay $0x3  }
0x79: {  	[tilespmem:v35+s22+$0x0] =	vst.idx.msk $0xffff, v34  }
0x7a: {  	v34 =	vld.idx.msk [tilespmem:v36+s4+$0x0], $0xffff  }
0x7b: {  	v35 =	vor.u32 v5, v32  }
0x7c: {  	v36 =	vor.u32 v6, v33;
	_ =	sdelay $0x3  }
0x7d: {  	[tilespmem:v35+s22+$0x0] =	vst.idx.msk $0xffff, v34  }
0x7e: {  	v34 =	vld.idx.msk [tilespmem:v36+s4+$0x0], $0xffff  }
0x7f: {  	v35 =	vor.u32 v7, v32  }
0x80: {  	v36 =	vor.u32 v8, v33;
	_ =	sdelay $0x3  }
0x81: {  	[tilespmem:v35+s22+$0x0] =	vst.idx.msk $0xffff, v34  }
0x82: {  	v34 =	vld.idx.msk [tilespmem:v36+s4+$0x0], $0xffff  }
0x83: {  	v35 =	vor.u32 v9, v32  }
0x84: {  	v36 =	vor.u32 v10, v33;
	_ =	sdelay $0x3  }
0x85: {  	[tilespmem:v35+s22+$0x0] =	vst.idx.msk $0xffff, v34  }
0x86: {  	v34 =	vld.idx.msk [tilespmem:v36+s4+$0x0], $0xffff  }
0x87: {  	v35 =	vor.u32 v11, v32  }
0x88: {  	v36 =	vor.u32 v12, v33;
	_ =	sdelay $0x3  }
0x89: {  	[tilespmem:v35+s22+$0x0] =	vst.idx.msk $0xffff, v34  }
0x8a: {  	v34 =	vld.idx.msk [tilespmem:v36+s4+$0x0], $0xffff  }
0x8b: {  	v35 =	vor.u32 v13, v32  }
0x8c: {  	v36 =	vor.u32 v14, v33;
	_ =	sdelay $0x3  }
0x8d: {  	[tilespmem:v35+s22+$0x0] =	vst.idx.msk $0xffff, v34  }
0x8e: {  	v34 =	vld.idx.msk [tilespmem:v36+s4+$0x0], $0xffff  }
0x8f: {  	v35 =	vor.u32 v15, v32  }
0x90: {  	v36 =	vor.u32 v16, v33;
	_ =	sdelay $0x3  }
0x91: {  	[tilespmem:v35+s22+$0x0] =	vst.idx.msk $0xffff, v34  }
0x92: {  	v34 =	vld.idx.msk [tilespmem:v36+s4+$0x0], $0xffff  }
0x93: {  	v35 =	vor.u32 v17, v32  }
0x94: {  	v36 =	vor.u32 v18, v33;
	_ =	sdelay $0x3  }
0x95: {  	[tilespmem:v35+s22+$0x0] =	vst.idx.msk $0xffff, v34  }
0x96: {  	v34 =	vld.idx.msk [tilespmem:v36+s4+$0x0], $0xffff  }
0x97: {  	v35 =	vor.u32 v19, v32  }
0x98: {  	v36 =	vor.u32 v20, v33;
	_ =	sdelay $0x3  }
0x99: {  	[tilespmem:v35+s22+$0x0] =	vst.idx.msk $0xffff, v34  }
0x9a: {  	v34 =	vld.idx.msk [tilespmem:v36+s4+$0x0], $0xffff  }
0x9b: {  	v35 =	vor.u32 v21, v32  }
0x9c: {  	v36 =	vor.u32 v22, v33;
	_ =	sdelay $0x3  }
0x9d: {  	[tilespmem:v35+s22+$0x0] =	vst.idx.msk $0xffff, v34  }
0x9e: {  	v34 =	vld.idx.msk [tilespmem:v36+s4+$0x0], $0xffff  }
0x9f: {  	v35 =	vor.u32 v23, v32  }
0xa0: {  	v36 =	vor.u32 v24, v33;
	_ =	sdelay $0x3  }
0xa1: {  	[tilespmem:v35+s22+$0x0] =	vst.idx.msk $0xffff, v34  }
0xa2: {  	v34 =	vld.idx.msk [tilespmem:v36+s4+$0x0], $0xffff  }
0xa3: {  	v35 =	vor.u32 v25, v32  }
0xa4: {  	v36 =	vor.u32 v26, v33;
	_ =	sdelay $0x3  }
0xa5: {  	[tilespmem:v35+s22+$0x0] =	vst.idx.msk $0xffff, v34  }
0xa6: {  	v34 =	vld.idx.msk [tilespmem:v36+s4+$0x0], $0xffff  }
0xa7: {  	v35 =	vor.u32 v27, v32  }
0xa8: {  	v36 =	vor.u32 v28, v33;
	_ =	sdelay $0x3  }
0xa9: {  	[tilespmem:v35+s22+$0x0] =	vst.idx.msk $0xffff, v34  }
0xaa: {  	v35 =	vld.idx.msk [tilespmem:v36+s4+$0x0], $0xffff  }
.Ltmp5:
0xab: {  	v36 =	vor.u32 v29, v32;
	(pc) =	sbr.rel @p1 .LBB2_4-.Ltmp5, $2  }
0xac: {  	v33 =	vor.u32 v30, v33;
	_ =	sdelay $0x2  }
0xad: {  	v34 =	vadd.s32 s29, v0;
	s29 =	sadd.s32 $0x1, s29  }
0xae: {  	_ =	sdelay $0x2  }
0xaf: {  	v37 =	vshll.u32 v34, $0x8;
	v38 =	vshll.u32 v34, $0x7  }
0xb0: {  	[tilespmem:v36+s22+$0x0] =	vst.idx.msk $0xffff, v35;
	v58 =	vand.u32 $0x1800, v37;
	v59 =	vand.u32 $0x380, v38  }
0xb1: {  	v32 =	vor.u32 v31, v32;
	v33 =	vld.idx.msk [tilespmem:v33+s4+$0x0], $0xffff;
	v35 =	vor.u32 v59, v58  }
0xb2: {  	v36 =	vor.u32 v0, v35;
	_ =	sdelay $0x3  }
0xb3: {  	[tilespmem:v32+s22+$0x0] =	vst.idx.msk $0xffff, v33;
	v32 =	vand.u32 $0x1F, v34  }
0xb4: {  	v34 =	vor.u32 v1, v32;
	v33 =	vld.idx.msk [tilespmem:v36+s4+$0x0], $0xffff  }
0xb5: {  	v60 =	vor.u32 v2, v35;
	_ =	sdelay $0x3  }
0xb6: {  	[tilespmem:v34+s22+$0x0] =	vst.idx.msk $0xffff, v33  }
0xb7: {  	v61 =	vor.u32 v3, v32;
	v33 =	vld.idx.msk [tilespmem:v60+s4+$0x0], $0xffff  }
0xb8: {  	v62 =	vor.u32 v4, v35;
	_ =	sdelay $0x3  }
0xb9: {  	[tilespmem:v61+s22+$0x0] =	vst.idx.msk $0xffff, v33  }
0xba: {  	v63 =	vor.u32 v5, v32;
	v33 =	vld.idx.msk [tilespmem:v62+s4+$0x0], $0xffff  }
0xbb: {  	v40 =	vor.u32 v6, v35;
	_ =	sdelay $0x3  }
0xbc: {  	[tilespmem:v63+s22+$0x0] =	vst.idx.msk $0xffff, v33  }
0xbd: {  	v41 =	vor.u32 v7, v32;
	v33 =	vld.idx.msk [tilespmem:v40+s4+$0x0], $0xffff  }
0xbe: {  	v42 =	vor.u32 v8, v35;
	_ =	sdelay $0x3  }
0xbf: {  	[tilespmem:v41+s22+$0x0] =	vst.idx.msk $0xffff, v33  }
0xc0: {  	v43 =	vor.u32 v9, v32;
	v33 =	vld.idx.msk [tilespmem:v42+s4+$0x0], $0xffff  }
0xc1: {  	v44 =	vor.u32 v10, v35;
	_ =	sdelay $0x3  }
0xc2: {  	[tilespmem:v43+s22+$0x0] =	vst.idx.msk $0xffff, v33  }
0xc3: {  	v45 =	vor.u32 v11, v32;
	v33 =	vld.idx.msk [tilespmem:v44+s4+$0x0], $0xffff  }
0xc4: {  	v46 =	vor.u32 v12, v35;
	_ =	sdelay $0x3  }
0xc5: {  	[tilespmem:v45+s22+$0x0] =	vst.idx.msk $0xffff, v33  }
0xc6: {  	v47 =	vor.u32 v13, v32;
	v33 =	vld.idx.msk [tilespmem:v46+s4+$0x0], $0xffff  }
0xc7: {  	v48 =	vor.u32 v14, v35;
	_ =	sdelay $0x3  }
0xc8: {  	[tilespmem:v47+s22+$0x0] =	vst.idx.msk $0xffff, v33  }
0xc9: {  	v49 =	vor.u32 v15, v32;
	v33 =	vld.idx.msk [tilespmem:v48+s4+$0x0], $0xffff  }
0xca: {  	v50 =	vor.u32 v16, v35;
	_ =	sdelay $0x3  }
0xcb: {  	[tilespmem:v49+s22+$0x0] =	vst.idx.msk $0xffff, v33  }
0xcc: {  	v51 =	vor.u32 v17, v32;
	v33 =	vld.idx.msk [tilespmem:v50+s4+$0x0], $0xffff  }
0xcd: {  	v52 =	vor.u32 v18, v35;
	_ =	sdelay $0x3  }
0xce: {  	[tilespmem:v51+s22+$0x0] =	vst.idx.msk $0xffff, v33  }
0xcf: {  	v53 =	vor.u32 v19, v32;
	v33 =	vld.idx.msk [tilespmem:v52+s4+$0x0], $0xffff  }
0xd0: {  	v54 =	vor.u32 v20, v35;
	_ =	sdelay $0x3  }
0xd1: {  	[tilespmem:v53+s22+$0x0] =	vst.idx.msk $0xffff, v33  }
0xd2: {  	v55 =	vor.u32 v21, v32;
	v33 =	vld.idx.msk [tilespmem:v54+s4+$0x0], $0xffff  }
0xd3: {  	v56 =	vor.u32 v22, v35;
	_ =	sdelay $0x3  }
0xd4: {  	[tilespmem:v55+s22+$0x0] =	vst.idx.msk $0xffff, v33  }
0xd5: {  	v57 =	vor.u32 v23, v32;
	v33 =	vld.idx.msk [tilespmem:v56+s4+$0x0], $0xffff  }
0xd6: {  	v58 =	vor.u32 v24, v35;
	_ =	sdelay $0x3  }
0xd7: {  	[tilespmem:v57+s22+$0x0] =	vst.idx.msk $0xffff, v33  }
0xd8: {  	v59 =	vor.u32 v25, v32;
	v33 =	vld.idx.msk [tilespmem:v58+s4+$0x0], $0xffff  }
0xd9: {  	v60 =	vor.u32 v26, v35;
	_ =	sdelay $0x3  }
0xda: {  	[tilespmem:v59+s22+$0x0] =	vst.idx.msk $0xffff, v33  }
0xdb: {  	v61 =	vor.u32 v27, v32;
	v33 =	vld.idx.msk [tilespmem:v60+s4+$0x0], $0xffff  }
0xdc: {  	v62 =	vor.u32 v28, v35;
	_ =	sdelay $0x3  }
0xdd: {  	[tilespmem:v61+s22+$0x0] =	vst.idx.msk $0xffff, v33  }
0xde: {  	v63 =	vor.u32 v29, v32;
	v33 =	vld.idx.msk [tilespmem:v62+s4+$0x0], $0xffff  }
0xdf: {  	v35 =	vor.u32 v30, v35;
	_ =	sdelay $0x3  }
0xe0: {  	[tilespmem:v63+s22+$0x0] =	vst.idx.msk $0xffff, v33  }
0xe1: {  	v32 =	vor.u32 v31, v32;
	v33 =	vld.idx.msk [tilespmem:v35+s4+$0x0], $0xffff  }
0xe2: {  	p1 =	seq.s32 s28, $0x0  }
.Ltmp6:
0xe3: {  	_ = 	snop;
	(pc) =	sbr.rel @p1 .LBB2_9-.Ltmp6, $4  }
0xe4: {  	s2 =	sshll.u32 s26, $0xA  }
0xe5: {  	s2 =	sand.u32 $0x1FFFFC00, s2  }
0xe6: {  	s2 =	sadd.s32 s3, s2;
	[tilespmem:v32+s22+$0x0] =	vst.idx.msk $0xffff, v33  }
0xe7: {  	[hbm4b:s2+s4] =	stream.linear.scatter [tilespmem:s22], [sflag:$0x3], $0x2000, $0x38;
	[tilespmem:$0x9000] =	vst v63  }
.LBB2_6:
0xe8: {  	p1 =	sge.u32 s25, s8  }
0xe9: {  	_ =	swait.ge [sflag:s14], $0x2000;
	s28 =	simm.s32 $0x0;
	s2 =	sshll.u32 @!p1 s26, $0x8  }
0xea: {  	[sflag:s14] =	ssyncset.done $0x0;
	v32 =	vadd.s32 s28, v0;
	s2 =	sand.u32 @!p1 $0x1FFFFF00, s2  }
0xeb: {  	s28 =	simm.s32 @!p1 $0x800;
	s29 =	simm.s32 @!p1 $0x7A1400;
	v33 =	vshll.u32 v32, $0x8;
	v34 =	vshll.u32 v32, $0x7;
	s2 =	sadd.s32 @!p1 s1, s2  }
0xec: {  	s30 =	simm.s32 @!p1 $0x0;
	[sflag:s14] =	ssyncadd.s32 $0xFFFFE000;
	v33 =	vand.u32 $0x1800, v33;
	v34 =	vand.u32 $0x380, v34;
	s2 =	sadd.s32 @!p1 $0x100, s2  }
0xed: {  	v33 =	vor.u32 v34, v33;
	[tilespmem:s30], [sflag:$0x1] =	stream.strided.gather @!p1 [hbm4b:s2+s28], $0x2000, s29, s28, $0x38;
	[tilespmem:$0x9000] =	vst v63  }
0xee: {  	p1 =	slt.u32 s25, $0x2;
	v34 =	vor.u32 v0, v33  }
0xef: {  	s2 =	simm.s32 @!p1 $0x4  }
0xf0: {  	_ =	swait.ge @!p1 [sflag:s2], $0x2000  }
0xf1: {  	[sflag:s2] =	ssyncset.done @!p1 $0x0  }
0xf2: {  	v32 =	vand.u32 $0x1F, v32;
	[sflag:s2] =	ssyncadd.s32 @!p1 $0xFFFFE000  }
0xf3: {  	v35 =	vor.u32 v1, v32;
	v34 =	vld.idx.msk [tilespmem:v34+s15+$0x0], $0xffff  }
0xf4: {  	v36 =	vor.u32 v2, v33;
	_ =	sdelay $0x3  }
0xf5: {  	[tilespmem:v35+s16+$0x0] =	vst.idx.msk $0xffff, v34  }
0xf6: {  	v62 =	vor.u32 v3, v32;
	v34 =	vld.idx.msk [tilespmem:v36+s15+$0x0], $0xffff  }
0xf7: {  	v63 =	vor.u32 v4, v33;
	_ =	sdelay $0x3  }
0xf8: {  	[tilespmem:v62+s16+$0x0] =	vst.idx.msk $0xffff, v34  }
0xf9: {  	v40 =	vor.u32 v5, v32;
	v34 =	vld.idx.msk [tilespmem:v63+s15+$0x0], $0xffff  }
0xfa: {  	v41 =	vor.u32 v6, v33;
	_ =	sdelay $0x3  }
0xfb: {  	[tilespmem:v40+s16+$0x0] =	vst.idx.msk $0xffff, v34  }
0xfc: {  	v42 =	vor.u32 v7, v32;
	v34 =	vld.idx.msk [tilespmem:v41+s15+$0x0], $0xffff  }
0xfd: {  	v43 =	vor.u32 v8, v33;
	_ =	sdelay $0x3  }
0xfe: {  	[tilespmem:v42+s16+$0x0] =	vst.idx.msk $0xffff, v34  }
0xff: {  	v44 =	vor.u32 v9, v32;
	v34 =	vld.idx.msk [tilespmem:v43+s15+$0x0], $0xffff  }
0x100: {  	v45 =	vor.u32 v10, v33;
	_ =	sdelay $0x3  }
0x101: {  	[tilespmem:v44+s16+$0x0] =	vst.idx.msk $0xffff, v34  }
0x102: {  	v46 =	vor.u32 v11, v32;
	v34 =	vld.idx.msk [tilespmem:v45+s15+$0x0], $0xffff  }
0x103: {  	v47 =	vor.u32 v12, v33;
	_ =	sdelay $0x3  }
0x104: {  	[tilespmem:v46+s16+$0x0] =	vst.idx.msk $0xffff, v34  }
0x105: {  	v48 =	vor.u32 v13, v32;
	v34 =	vld.idx.msk [tilespmem:v47+s15+$0x0], $0xffff  }
0x106: {  	v49 =	vor.u32 v14, v33;
	_ =	sdelay $0x3  }
0x107: {  	[tilespmem:v48+s16+$0x0] =	vst.idx.msk $0xffff, v34  }
0x108: {  	v50 =	vor.u32 v15, v32;
	v34 =	vld.idx.msk [tilespmem:v49+s15+$0x0], $0xffff  }
0x109: {  	v51 =	vor.u32 v16, v33;
	_ =	sdelay $0x3  }
0x10a: {  	[tilespmem:v50+s16+$0x0] =	vst.idx.msk $0xffff, v34  }
0x10b: {  	v52 =	vor.u32 v17, v32;
	v34 =	vld.idx.msk [tilespmem:v51+s15+$0x0], $0xffff  }
0x10c: {  	v53 =	vor.u32 v18, v33;
	_ =	sdelay $0x3  }
0x10d: {  	[tilespmem:v52+s16+$0x0] =	vst.idx.msk $0xffff, v34  }
0x10e: {  	v54 =	vor.u32 v19, v32;
	v34 =	vld.idx.msk [tilespmem:v53+s15+$0x0], $0xffff  }
0x10f: {  	v55 =	vor.u32 v20, v33;
	_ =	sdelay $0x3  }
0x110: {  	[tilespmem:v54+s16+$0x0] =	vst.idx.msk $0xffff, v34  }
0x111: {  	v56 =	vor.u32 v21, v32;
	v34 =	vld.idx.msk [tilespmem:v55+s15+$0x0], $0xffff  }
0x112: {  	v57 =	vor.u32 v22, v33;
	_ =	sdelay $0x3  }
0x113: {  	[tilespmem:v56+s16+$0x0] =	vst.idx.msk $0xffff, v34  }
0x114: {  	v58 =	vor.u32 v23, v32;
	v34 =	vld.idx.msk [tilespmem:v57+s15+$0x0], $0xffff  }
0x115: {  	v59 =	vor.u32 v24, v33;
	_ =	sdelay $0x3  }
0x116: {  	[tilespmem:v58+s16+$0x0] =	vst.idx.msk $0xffff, v34  }
0x117: {  	v60 =	vor.u32 v25, v32;
	v34 =	vld.idx.msk [tilespmem:v59+s15+$0x0], $0xffff  }
0x118: {  	v61 =	vor.u32 v26, v33;
	_ =	sdelay $0x3  }
0x119: {  	[tilespmem:v60+s16+$0x0] =	vst.idx.msk $0xffff, v34  }
0x11a: {  	v62 =	vor.u32 v27, v32;
	v34 =	vld.idx.msk [tilespmem:v61+s15+$0x0], $0xffff  }
0x11b: {  	v63 =	vor.u32 v28, v33;
	_ =	sdelay $0x3  }
0x11c: {  	[tilespmem:v62+s16+$0x0] =	vst.idx.msk $0xffff, v34  }
0x11d: {  	v36 =	vor.u32 v29, v32;
	v35 =	vld.idx.msk [tilespmem:v63+s15+$0x0], $0xffff  }
0x11e: {  	v33 =	vor.u32 v30, v33;
	_ =	sdelay $0x1  }
0x11f: {  	s31 =	simm.s32 $0x1  }
0x120: {  	s28 =	simm.s32 $0x2;
	v34 =	vadd.s32 s31, v0  }
.LBB2_7:
0x121: {  	p1 =	sne.s32 s28, $0x1F;
	v37 =	vshll.u32 v34, $0x8;
	v38 =	vshll.u32 v34, $0x7;
	[tilespmem:v36+s16+$0x0] =	vst.idx.msk $0xffff, v35  }
0x122: {  	v35 =	vand.u32 $0x1800, v37;
	v36 =	vand.u32 $0x380, v38;
	v37 =	vld.idx.msk [tilespmem:v33+s15+$0x0], $0xffff  }
0x123: {  	v32 =	vor.u32 v31, v32;
	v33 =	vor.u32 v36, v35  }
0x124: {  	v35 =	vor.u32 v0, v33;
	_ =	sdelay $0x3  }
0x125: {  	[tilespmem:v32+s16+$0x0] =	vst.idx.msk $0xffff, v37  }
0x126: {  	v32 =	vand.u32 $0x1F, v34;
	v34 =	vld.idx.msk [tilespmem:v35+s15+$0x0], $0xffff  }
0x127: {  	v35 =	vor.u32 v1, v32  }
0x128: {  	v36 =	vor.u32 v2, v33;
	_ =	sdelay $0x3  }
0x129: {  	[tilespmem:v35+s16+$0x0] =	vst.idx.msk $0xffff, v34  }
0x12a: {  	v34 =	vld.idx.msk [tilespmem:v36+s15+$0x0], $0xffff  }
0x12b: {  	v35 =	vor.u32 v3, v32  }
0x12c: {  	v36 =	vor.u32 v4, v33;
	_ =	sdelay $0x3  }
0x12d: {  	[tilespmem:v35+s16+$0x0] =	vst.idx.msk $0xffff, v34  }
0x12e: {  	v34 =	vld.idx.msk [tilespmem:v36+s15+$0x0], $0xffff  }
0x12f: {  	v35 =	vor.u32 v5, v32  }
0x130: {  	v36 =	vor.u32 v6, v33;
	_ =	sdelay $0x3  }
0x131: {  	[tilespmem:v35+s16+$0x0] =	vst.idx.msk $0xffff, v34  }
0x132: {  	v34 =	vld.idx.msk [tilespmem:v36+s15+$0x0], $0xffff  }
0x133: {  	v35 =	vor.u32 v7, v32  }
0x134: {  	v36 =	vor.u32 v8, v33;
	_ =	sdelay $0x3  }
0x135: {  	[tilespmem:v35+s16+$0x0] =	vst.idx.msk $0xffff, v34  }
0x136: {  	v34 =	vld.idx.msk [tilespmem:v36+s15+$0x0], $0xffff  }
0x137: {  	v35 =	vor.u32 v9, v32  }
0x138: {  	v36 =	vor.u32 v10, v33;
	_ =	sdelay $0x3  }
0x139: {  	[tilespmem:v35+s16+$0x0] =	vst.idx.msk $0xffff, v34  }
0x13a: {  	v34 =	vld.idx.msk [tilespmem:v36+s15+$0x0], $0xffff  }
0x13b: {  	v35 =	vor.u32 v11, v32  }
0x13c: {  	v36 =	vor.u32 v12, v33;
	_ =	sdelay $0x3  }
0x13d: {  	[tilespmem:v35+s16+$0x0] =	vst.idx.msk $0xffff, v34  }
0x13e: {  	v34 =	vld.idx.msk [tilespmem:v36+s15+$0x0], $0xffff  }
0x13f: {  	v35 =	vor.u32 v13, v32  }
0x140: {  	v36 =	vor.u32 v14, v33;
	_ =	sdelay $0x3  }
0x141: {  	[tilespmem:v35+s16+$0x0] =	vst.idx.msk $0xffff, v34  }
0x142: {  	v34 =	vld.idx.msk [tilespmem:v36+s15+$0x0], $0xffff  }
0x143: {  	v35 =	vor.u32 v15, v32  }
0x144: {  	v36 =	vor.u32 v16, v33;
	_ =	sdelay $0x3  }
0x145: {  	[tilespmem:v35+s16+$0x0] =	vst.idx.msk $0xffff, v34  }
0x146: {  	v34 =	vld.idx.msk [tilespmem:v36+s15+$0x0], $0xffff  }
0x147: {  	v35 =	vor.u32 v17, v32  }
0x148: {  	v36 =	vor.u32 v18, v33;
	_ =	sdelay $0x3  }
0x149: {  	[tilespmem:v35+s16+$0x0] =	vst.idx.msk $0xffff, v34  }
0x14a: {  	v34 =	vld.idx.msk [tilespmem:v36+s15+$0x0], $0xffff  }
0x14b: {  	v35 =	vor.u32 v19, v32  }
0x14c: {  	v36 =	vor.u32 v20, v33;
	_ =	sdelay $0x3  }
0x14d: {  	[tilespmem:v35+s16+$0x0] =	vst.idx.msk $0xffff, v34  }
0x14e: {  	v34 =	vld.idx.msk [tilespmem:v36+s15+$0x0], $0xffff  }
0x14f: {  	v35 =	vor.u32 v21, v32  }
0x150: {  	v36 =	vor.u32 v22, v33;
	_ =	sdelay $0x3  }
0x151: {  	[tilespmem:v35+s16+$0x0] =	vst.idx.msk $0xffff, v34  }
0x152: {  	v34 =	vld.idx.msk [tilespmem:v36+s15+$0x0], $0xffff  }
0x153: {  	v35 =	vor.u32 v23, v32  }
0x154: {  	v36 =	vor.u32 v24, v33;
	_ =	sdelay $0x3  }
0x155: {  	[tilespmem:v35+s16+$0x0] =	vst.idx.msk $0xffff, v34  }
0x156: {  	v34 =	vld.idx.msk [tilespmem:v36+s15+$0x0], $0xffff  }
0x157: {  	v35 =	vor.u32 v25, v32  }
0x158: {  	v36 =	vor.u32 v26, v33;
	_ =	sdelay $0x3  }
0x159: {  	[tilespmem:v35+s16+$0x0] =	vst.idx.msk $0xffff, v34  }
0x15a: {  	v34 =	vld.idx.msk [tilespmem:v36+s15+$0x0], $0xffff  }
0x15b: {  	v35 =	vor.u32 v27, v32  }
0x15c: {  	v36 =	vor.u32 v28, v33;
	_ =	sdelay $0x3  }
0x15d: {  	[tilespmem:v35+s16+$0x0] =	vst.idx.msk $0xffff, v34  }
0x15e: {  	v35 =	vld.idx.msk [tilespmem:v36+s15+$0x0], $0xffff  }
.Ltmp7:
0x15f: {  	v36 =	vor.u32 v29, v32;
	(pc) =	sbr.rel @p1 .LBB2_7-.Ltmp7, $2  }
0x160: {  	v33 =	vor.u32 v30, v33;
	_ =	sdelay $0x2  }
0x161: {  	v34 =	vadd.s32 s28, v0;
	s28 =	sadd.s32 $0x1, s28  }
0x162: {  	_ =	sdelay $0x2  }
0x163: {  	v37 =	vshll.u32 v34, $0x8;
	v38 =	vshll.u32 v34, $0x7  }
0x164: {  	[tilespmem:v36+s16+$0x0] =	vst.idx.msk $0xffff, v35;
	v58 =	vand.u32 $0x1800, v37;
	v59 =	vand.u32 $0x380, v38  }
0x165: {  	v32 =	vor.u32 v31, v32;
	v33 =	vld.idx.msk [tilespmem:v33+s15+$0x0], $0xffff;
	v35 =	vor.u32 v59, v58  }
0x166: {  	v36 =	vor.u32 v0, v35;
	_ =	sdelay $0x3  }
0x167: {  	[tilespmem:v32+s16+$0x0] =	vst.idx.msk $0xffff, v33;
	v32 =	vand.u32 $0x1F, v34  }
0x168: {  	v34 =	vor.u32 v1, v32;
	v33 =	vld.idx.msk [tilespmem:v36+s15+$0x0], $0xffff  }
0x169: {  	v60 =	vor.u32 v2, v35;
	_ =	sdelay $0x3  }
0x16a: {  	[tilespmem:v34+s16+$0x0] =	vst.idx.msk $0xffff, v33  }
0x16b: {  	v61 =	vor.u32 v3, v32;
	v33 =	vld.idx.msk [tilespmem:v60+s15+$0x0], $0xffff  }
0x16c: {  	v62 =	vor.u32 v4, v35;
	_ =	sdelay $0x3  }
0x16d: {  	[tilespmem:v61+s16+$0x0] =	vst.idx.msk $0xffff, v33  }
0x16e: {  	v63 =	vor.u32 v5, v32;
	v33 =	vld.idx.msk [tilespmem:v62+s15+$0x0], $0xffff  }
0x16f: {  	v40 =	vor.u32 v6, v35;
	_ =	sdelay $0x3  }
0x170: {  	[tilespmem:v63+s16+$0x0] =	vst.idx.msk $0xffff, v33  }
0x171: {  	v41 =	vor.u32 v7, v32;
	v33 =	vld.idx.msk [tilespmem:v40+s15+$0x0], $0xffff  }
0x172: {  	v42 =	vor.u32 v8, v35;
	_ =	sdelay $0x3  }
0x173: {  	[tilespmem:v41+s16+$0x0] =	vst.idx.msk $0xffff, v33  }
0x174: {  	v43 =	vor.u32 v9, v32;
	v33 =	vld.idx.msk [tilespmem:v42+s15+$0x0], $0xffff  }
0x175: {  	v44 =	vor.u32 v10, v35;
	_ =	sdelay $0x3  }
0x176: {  	[tilespmem:v43+s16+$0x0] =	vst.idx.msk $0xffff, v33  }
0x177: {  	v45 =	vor.u32 v11, v32;
	v33 =	vld.idx.msk [tilespmem:v44+s15+$0x0], $0xffff  }
0x178: {  	v46 =	vor.u32 v12, v35;
	_ =	sdelay $0x3  }
0x179: {  	[tilespmem:v45+s16+$0x0] =	vst.idx.msk $0xffff, v33  }
0x17a: {  	v47 =	vor.u32 v13, v32;
	v33 =	vld.idx.msk [tilespmem:v46+s15+$0x0], $0xffff  }
0x17b: {  	v48 =	vor.u32 v14, v35;
	_ =	sdelay $0x3  }
0x17c: {  	[tilespmem:v47+s16+$0x0] =	vst.idx.msk $0xffff, v33  }
0x17d: {  	v49 =	vor.u32 v15, v32;
	v33 =	vld.idx.msk [tilespmem:v48+s15+$0x0], $0xffff  }
0x17e: {  	v50 =	vor.u32 v16, v35;
	_ =	sdelay $0x3  }
0x17f: {  	[tilespmem:v49+s16+$0x0] =	vst.idx.msk $0xffff, v33  }
0x180: {  	v51 =	vor.u32 v17, v32;
	v33 =	vld.idx.msk [tilespmem:v50+s15+$0x0], $0xffff  }
0x181: {  	v52 =	vor.u32 v18, v35;
	_ =	sdelay $0x3  }
0x182: {  	[tilespmem:v51+s16+$0x0] =	vst.idx.msk $0xffff, v33  }
0x183: {  	v53 =	vor.u32 v19, v32;
	v33 =	vld.idx.msk [tilespmem:v52+s15+$0x0], $0xffff  }
0x184: {  	v54 =	vor.u32 v20, v35;
	_ =	sdelay $0x3  }
0x185: {  	[tilespmem:v53+s16+$0x0] =	vst.idx.msk $0xffff, v33  }
0x186: {  	v55 =	vor.u32 v21, v32;
	v33 =	vld.idx.msk [tilespmem:v54+s15+$0x0], $0xffff  }
0x187: {  	v56 =	vor.u32 v22, v35;
	_ =	sdelay $0x3  }
0x188: {  	[tilespmem:v55+s16+$0x0] =	vst.idx.msk $0xffff, v33  }
0x189: {  	v57 =	vor.u32 v23, v32;
	v33 =	vld.idx.msk [tilespmem:v56+s15+$0x0], $0xffff  }
0x18a: {  	v58 =	vor.u32 v24, v35;
	_ =	sdelay $0x3  }
0x18b: {  	[tilespmem:v57+s16+$0x0] =	vst.idx.msk $0xffff, v33  }
0x18c: {  	v59 =	vor.u32 v25, v32;
	v33 =	vld.idx.msk [tilespmem:v58+s15+$0x0], $0xffff  }
0x18d: {  	v60 =	vor.u32 v26, v35;
	_ =	sdelay $0x3  }
0x18e: {  	[tilespmem:v59+s16+$0x0] =	vst.idx.msk $0xffff, v33  }
0x18f: {  	v61 =	vor.u32 v27, v32;
	v33 =	vld.idx.msk [tilespmem:v60+s15+$0x0], $0xffff  }
0x190: {  	v62 =	vor.u32 v28, v35;
	_ =	sdelay $0x3  }
0x191: {  	[tilespmem:v61+s16+$0x0] =	vst.idx.msk $0xffff, v33  }
0x192: {  	v63 =	vor.u32 v29, v32;
	v33 =	vld.idx.msk [tilespmem:v62+s15+$0x0], $0xffff  }
0x193: {  	v35 =	vor.u32 v30, v35;
	_ =	sdelay $0x3  }
0x194: {  	[tilespmem:v63+s16+$0x0] =	vst.idx.msk $0xffff, v33  }
0x195: {  	v32 =	vor.u32 v31, v32;
	v33 =	vld.idx.msk [tilespmem:v35+s15+$0x0], $0xffff;
	_ =	sdelay $0x1  }
.Ltmp8:
0x196: {  	_ = 	snop;
	(pc) =	sbr.rel .LBB2_9-.Ltmp8, $4  }
0x197: {  	s2 =	sshll.u32 s26, $0xA  }
0x198: {  	s2 =	sand.u32 $0x1FFFFC00, s2  }
0x199: {  	s2 =	sadd.s32 s3, s2;
	[tilespmem:v32+s16+$0x0] =	vst.idx.msk $0xffff, v33  }
0x19a: {  	[hbm4b:s2+s4] =	stream.linear.scatter [tilespmem:s16], [sflag:$0x4], $0x2000, $0x38;
	[tilespmem:$0x9000] =	vst v63  }
.LBB2_10:
0x19b: {  	_ =	swait.ge [sflag:s17], $0x2000  }
.Ltmp9:
0x19c: {  	[sflag:s17] =	ssyncset.done $0x0;
	(pc) =	sbr.rel @p0 .LBB2_14-.Ltmp9, $4  }
0x19d: {  	[sflag:s17] =	ssyncadd.s32 $0xFFFFE000  }
0x19e: {  	_ =	swait.ge [sflag:s18], $0x2000  }
0x19f: {  	[sflag:s18] =	ssyncset.done $0x0  }
0x1a0: {  	[sflag:s18] =	ssyncadd.s32 $0xFFFFE000  }
0x1a1: {  	s2 =	simm.s32 $0x0  }
0x1a2: {  	v32 =	vadd.s32 s2, v0  }
0x1a3: {  	v32 =	vand.u32 $0x1F, v32  }
0x1a4: {  	v33 =	vshll.u32 v32, $0x7  }
0x1a5: {  	v34 =	vor.u32 v0, v33  }
0x1a6: {  	[tilespmem:s20], [sflag:$0x5] =	stream.strided.gather [hbm4b:s9+s19], $0x1000, s13, s19, $0x38;
	[tilespmem:$0x9000] =	vst v63  }
0x1a7: {  	_ =	swait.ge [sflag:s21], $0x1000  }
0x1a8: {  	[sflag:s21] =	ssyncset.done $0x0  }
0x1a9: {  	[sflag:s21] =	ssyncadd.s32 $0xFFFFF000  }
0x1aa: {  	v35 =	vor.u32 v1, v32;
	v34 =	vld.idx.msk [tilespmem:v34+s20+$0x0], $0xffff  }
0x1ab: {  	v36 =	vor.u32 v2, v33;
	_ =	sdelay $0x3  }
0x1ac: {  	[tilespmem:v35+s22+$0x0] =	vst.idx.msk $0xffff, v34  }
0x1ad: {  	v61 =	vor.u32 v3, v32;
	v34 =	vld.idx.msk [tilespmem:v36+s20+$0x0], $0xffff  }
0x1ae: {  	v62 =	vor.u32 v4, v33;
	_ =	sdelay $0x3  }
0x1af: {  	[tilespmem:v61+s22+$0x0] =	vst.idx.msk $0xffff, v34  }
0x1b0: {  	v63 =	vor.u32 v5, v32;
	v35 =	vld.idx.msk [tilespmem:v62+s20+$0x0], $0xffff  }
0x1b1: {  	v33 =	vor.u32 v6, v33;
	_ =	sdelay $0x2  }
0x1b2: {  	s31 =	simm.s32 $0x1  }
0x1b3: {  	s25 =	simm.s32 $0x2;
	v34 =	vadd.s32 s31, v0;
	[tilespmem:v63+s22+$0x0] =	vst.idx.msk $0xffff, v35  }
.LBB2_12:
0x1b4: {  	p1 =	sne.s32 s25, $0x1F;
	v34 =	vand.u32 $0x1F, v34;
	v33 =	vld.idx.msk [tilespmem:v33+s20+$0x0], $0xffff  }
0x1b5: {  	v36 =	vor.u32 v7, v32;
	v35 =	vshll.u32 v34, $0x7;
	v32 =	vmov v34  }
0x1b6: {  	v34 =	vor.u32 v0, v35;
	_ =	sdelay $0x3  }
0x1b7: {  	[tilespmem:v36+s22+$0x0] =	vst.idx.msk $0xffff, v33  }
0x1b8: {  	v33 =	vld.idx.msk [tilespmem:v34+s20+$0x0], $0xffff  }
0x1b9: {  	v34 =	vor.u32 v1, v32  }
0x1ba: {  	v36 =	vor.u32 v2, v35;
	_ =	sdelay $0x3  }
0x1bb: {  	[tilespmem:v34+s22+$0x0] =	vst.idx.msk $0xffff, v33  }
0x1bc: {  	v33 =	vld.idx.msk [tilespmem:v36+s20+$0x0], $0xffff  }
0x1bd: {  	v34 =	vor.u32 v3, v32  }
0x1be: {  	v36 =	vor.u32 v4, v35;
	_ =	sdelay $0x3  }
0x1bf: {  	[tilespmem:v34+s22+$0x0] =	vst.idx.msk $0xffff, v33  }
0x1c0: {  	v36 =	vld.idx.msk [tilespmem:v36+s20+$0x0], $0xffff  }
0x1c1: {  	v37 =	vor.u32 v5, v32  }
.Ltmp10:
0x1c2: {  	v33 =	vor.u32 v6, v35;
	(pc) =	sbr.rel @p1 .LBB2_12-.Ltmp10, $2  }
0x1c3: {  	_ =	sdelay $0x2  }
0x1c4: {  	v34 =	vadd.s32 s25, v0;
	s25 =	sadd.s32 $0x1, s25;
	[tilespmem:v37+s22+$0x0] =	vst.idx.msk $0xffff, v36  }
.Ltmp11:
0x1c5: {  	_ = 	snop;
	(pc) =	sbr.rel .LBB2_13-.Ltmp11, $1  }
0x1c6: {  	_ =	sdelay $0x3  }
.LBB2_15:
0x1c7: {  	_ =	sfence.sel $0x180000  }
0x1c8: {  	[bflag:$0x0] =	sbarrier.arrive $0xFFFF  }
0x1c9: {  	_ =	strace $0x90000047  }
0x1ca: {  	[bflag:$0x2] =	sbarrier.arrive $0xFFFF  }
0x1cb: {  	p0 =	sne.s32 s0, $0x0;
	s0 =	rddreg [dreg:$0x2]  }
0x1cc: {  	s0 =	sadd.s32 @!p0 $0x100000, s0  }
0x1cd: {  	[sflag:s0] =	ssyncadd.tile.s32 @!p0 $0x1;
	_ =	shalt  }
.Lfunc_end2:
_tile_overlayer_lowered:
.L_overlay_start_2:
0x1ce: {  	(tag) =	ssettag $0x2  }
0x1cf: {  	s0 =	rddreg [dreg:$0x0];
	s2 =	stileid.u32  }
0x1d0: {  	s1 =	rddreg [dreg:$0x1];
	p0 =	sne.s32 s2, $0x0  }
0x1d1: {  	s3 =	rddreg [dreg:$0x2];
	[bflag:$0x3] =	sbarrier.arrive $0xFFFF;
	s2 =	simm.s32 @!p0 $0x1C05  }
0x1d2: {  	[timem:s3], [sflag:s2] =	dma.local @!p0 [hbm:s0], s1  }
0x1d3: {  	s0 =	simm.s32 @!p0 $0x5  }
0x1d4: {  	_ =	swait.ge @!p0 [sflag:s0], s1  }
0x1d5: {  	s1 =	ssub.s32 @!p0 $0x0, s1;
	[sflag:s0] =	ssyncset.done @!p0 $0x0  }
0x1d6: {  	[sflag:s0] =	ssyncadd.s32 @!p0 s1  }
0x1d7: {  	[bflag:$0x3] =	sbarrier.arrive $0xFFFF  }
0x1d8: {  	_ =	shalt  }

</sc_bundles>
